<compile_context>
chip_gen: v7x
topology: tpu7x:2x2x1
jax: 0.10.2.dev20260603
libtpu: 0.0.44.dev20260713+nightly
codegen_flags: <defaults>
</compile_context>

<pallas_src>
import jax
import jax.numpy as jnp
from jax import lax
from jax.experimental import pallas as pl
from jax.experimental.pallas import tpu as pltpu
from jax.experimental.pallas import tpu_sc as plsc

N = 10000
E = 320000
D_IN = 128
D_HID = 128
D_OUT = 64

NC = 2
NS = 16
NW = NC * NS
Np = 10240
K = 128
NCHUNK = 80
EPT = NCHUNK * K
EP = NW * EPT
ROWS_PT = Np // NS
BM = 512

_MESH = dict(core_axis_name="c", subcore_axis_name="s")


def _deg_body(dst_hbm, out_hbm, dst_v, hist_v):
    cid = lax.axis_index("c")
    sid = lax.axis_index("s")
    wid = cid * NS + sid
    pltpu.sync_copy(dst_hbm.at[wid], dst_v)
    zero16 = jnp.zeros((16,), jnp.float32)
    ones16 = jnp.full((16,), 1.0, jnp.float32)

    def z(i, c):
        hist_v[pl.ds(i * 16, 16)] = zero16
        return c

    lax.fori_loop(0, Np // 16, z, 0)

    def h(i, c):
        plsc.addupdate_scatter(hist_v, [dst_v[i]], ones16)
        return c

    lax.fori_loop(0, EPT // 16, h, 0)
    pltpu.sync_copy(hist_v, out_hbm.at[wid])


_deg_call = pl.kernel(
    _deg_body,
    out_type=jax.ShapeDtypeStruct((NW, Np), jnp.float32),
    mesh=plsc.VectorSubcoreMesh(**_MESH),
    compiler_params=pltpu.CompilerParams(needs_layout_passes=False),
    scratch_types=[
        pltpu.VMEM((EPT // 16, 16), jnp.int32),
        pltpu.VMEM((Np,), jnp.float32),
    ],
)


def _make_agg(D):
    def body(y_hbm, src_hbm, dst_hbm, out_hbm, src_v, dst_v, rows_v, acc_sh, sem):
        cid = lax.axis_index("c")
        sid = lax.axis_index("s")
        wid = cid * NS + sid
        pltpu.sync_copy(src_hbm.at[wid], src_v)
        pltpu.sync_copy(dst_hbm.at[wid], dst_v)
        zero16 = jnp.zeros((16,), jnp.float32)

        def z(i, c):
            for j in range(D // 16):
                rows_v[i, pl.ds(j * 16, 16)] = zero16
            return c

        lax.fori_loop(0, K, z, 0)
        for j in range(ROWS_PT // K):
            pltpu.sync_copy(rows_v, acc_sh.at[pl.ds(sid * ROWS_PT + j * K, K)])
        plsc.subcore_barrier()

        def b(j, c):
            pltpu.async_copy(y_hbm.at[src_v.at[j]], rows_v, sem).wait()
            pltpu.sync_copy(rows_v, acc_sh.at[dst_v.at[j]], add=True)
            return c

        lax.fori_loop(0, NCHUNK, b, 0)
        plsc.subcore_barrier()
        for j in range(ROWS_PT // K):
            sl = pl.ds(sid * ROWS_PT + j * K, K)
            pltpu.sync_copy(acc_sh.at[sl], out_hbm.at[cid, sl])

    return pl.kernel(
        body,
        out_type=jax.ShapeDtypeStruct((NC, Np, D), jnp.float32),
        mesh=plsc.VectorSubcoreMesh(**_MESH),
        scratch_types=[
            pltpu.VMEM((NCHUNK, K), jnp.int32),
            pltpu.VMEM((NCHUNK, K), jnp.int32),
            pltpu.VMEM((K, D), jnp.float32),
            pltpu.VMEM_SHARED((Np, D), jnp.float32),
            pltpu.SemaphoreType.DMA,
        ],
    )


_agg_hid = _make_agg(D_HID)


def _dis_body(degp_ref, dis_ref):
    deg = jnp.sum(degp_ref[...], axis=0).reshape(1, Np) + 1.0
    dis_ref[...] = lax.rsqrt(deg)


_dis_call = pl.pallas_call(
    _dis_body,
    out_shape=jax.ShapeDtypeStruct((1, Np), jnp.float32),
)


def _mm1_body(x_ref, w_ref, dis_ref, y_ref):
    i = pl.program_id(0)
    xw = jnp.dot(x_ref[...], w_ref[...], preferred_element_type=jnp.float32)
    d = dis_ref[0, pl.ds(i * BM, BM)]
    y_ref[...] = xw * d[:, None]


_mm1_call = pl.pallas_call(
    _mm1_body,
    grid=(Np // BM,),
    in_specs=[
        pl.BlockSpec((BM, D_IN), lambda i: (i, 0)),
        pl.BlockSpec((D_IN, D_HID), lambda i: (0, 0)),
        pl.BlockSpec((1, Np), lambda i: (0, 0)),
    ],
    out_specs=pl.BlockSpec((BM, D_HID), lambda i: (i, 0)),
    out_shape=jax.ShapeDtypeStruct((Np, D_HID), jnp.float32),
)


def _mid_body(p_ref, y1_ref, dis_ref, b1_ref, z_ref):
    i = pl.program_id(0)
    d = dis_ref[0, pl.ds(i * BM, BM)][:, None]
    h = d * (p_ref[0] + p_ref[1] + y1_ref[...]) + b1_ref[...]
    h = jnp.where(h > 0, h, jnp.exp(jnp.minimum(h, 0.0)) - 1.0)
    z_ref[...] = h * d


_mid_call = pl.pallas_call(
    _mid_body,
    grid=(Np // BM,),
    in_specs=[
        pl.BlockSpec((NC, BM, D_HID), lambda i: (0, i, 0)),
        pl.BlockSpec((BM, D_HID), lambda i: (i, 0)),
        pl.BlockSpec((1, Np), lambda i: (0, 0)),
        pl.BlockSpec((1, D_HID), lambda i: (0, 0)),
    ],
    out_specs=pl.BlockSpec((BM, D_HID), lambda i: (i, 0)),
    out_shape=jax.ShapeDtypeStruct((Np, D_HID), jnp.float32),
)


def _fin_body(q_ref, z_ref, dis_ref, w2_ref, b2_ref, o_ref):
    i = pl.program_id(0)
    d = dis_ref[0, pl.ds(i * BM, BM)][:, None]
    agg = d * (q_ref[0] + q_ref[1] + z_ref[...])
    o_ref[...] = (
        jnp.dot(agg, w2_ref[...], preferred_element_type=jnp.float32) + b2_ref[...]
    )


_fin_call = pl.pallas_call(
    _fin_body,
    grid=(Np // BM,),
    in_specs=[
        pl.BlockSpec((NC, BM, D_HID), lambda i: (0, i, 0)),
        pl.BlockSpec((BM, D_HID), lambda i: (i, 0)),
        pl.BlockSpec((1, Np), lambda i: (0, 0)),
        pl.BlockSpec((D_HID, D_OUT), lambda i: (0, 0)),
        pl.BlockSpec((1, D_OUT), lambda i: (0, 0)),
    ],
    out_specs=pl.BlockSpec((BM, D_OUT), lambda i: (i, 0)),
    out_shape=jax.ShapeDtypeStruct((Np, D_OUT), jnp.float32),
)


def kernel(x, edge_index, W1, b1, W2, b2):
    xp = jnp.pad(x, ((0, Np - N), (0, 0)))
    pad = jnp.full((EP - E,), N, jnp.int32)
    srcp = jnp.concatenate([edge_index[0], pad]).reshape(NW, NCHUNK, K)
    dst_flat = jnp.concatenate([edge_index[1], pad])
    dstp = dst_flat.reshape(NW, NCHUNK, K)

    degp = _deg_call(dst_flat.reshape(NW, EPT // 16, 16))
    dis = _dis_call(degp)
    y1 = _mm1_call(xp, W1, dis)
    p = _agg_hid(y1, srcp, dstp)
    z = _mid_call(p, y1, dis, b1.reshape(1, D_HID))
    q = _agg_hid(z, srcp, dstp)
    out = _fin_call(q, z, dis, W2, b2.reshape(1, D_OUT))
    return out[:N]

# --- scband reference (transcript-rebuilt; emitter-appended) ---
"""Pipeline reference for scband-link-gnn-16853451670012 (READ-ONLY COPY).

The authoritative reference and input builder live on the scoring server;
editing this copy changes nothing except your own understanding.
"""

import jax, jax.numpy as jnp
import numpy as np

N = 10000
E = 320000
D_IN = 128
D_HID = 128
D_OUT = 64


def setup_inputs(seed: int = 0) -> dict:
    key = jax.random.key(seed)
    k1, k2, k3, k4, k5, k6 = jax.random.split(key, 6)
    x = jax.random.normal(k1, (N, D_IN), dtype=jnp.float32)
    edge_index = jax.random.randint(k2, (2, E), 0, N, dtype=jnp.int32)
    W1 = jax.random.normal(k3, (D_IN, D_HID), dtype=jnp.float32) * (1.0 / np.sqrt(D_IN))
    b1 = jnp.zeros((D_HID,), dtype=jnp.float32)
    W2 = jax.random.normal(k4, (D_HID, D_OUT), dtype=jnp.float32) * (1.0 / np.sqrt(D_HID))
    b2 = jnp.zeros((D_OUT,), dtype=jnp.float32)
    return {"x": x, "edge_index": edge_index, "W1": W1, "b1": b1, "W2": W2, "b2": b2}


def _gcn_conv(x, edge_index, W, b):
    # Faithful PyG GCNConv: linear -> gcn_norm with added self-loops -> scatter-add aggregate -> bias
    n = x.shape[0]
    src = edge_index[0]
    dst = edge_index[1]
    loop = jnp.arange(n, dtype=src.dtype)
    src_f = jnp.concatenate([src, loop])
    dst_f = jnp.concatenate([dst, loop])
    ew = jnp.ones(src_f.shape[0], dtype=x.dtype)
    deg = jax.ops.segment_sum(ew, dst_f, num_segments=n)
    deg_inv_sqrt = jnp.where(deg > 0, jax.lax.rsqrt(jnp.maximum(deg, 1e-12)), 0.0)
    norm = deg_inv_sqrt[src_f] * ew * deg_inv_sqrt[dst_f]
    xw = x @ W
    msgs = jnp.take(xw, src_f, axis=0) * norm[:, None]
    out = jax.ops.segment_sum(msgs, dst_f, num_segments=n)
    return out + b


def reference(x, edge_index, W1, b1, W2, b2):
    # eval mode: dropout is identity; cache/link branches inactive
    h = _gcn_conv(x, edge_index, W1, b1)
    h = jax.nn.elu(h)
    out = _gcn_conv(h, edge_index, W2, b2)
    return out

if __name__ == "__main__":
    import jax
    _d = setup_inputs()
    print(jax.jit(kernel)(*tuple(_d.values())))

</pallas_src>

<mosaic_0001>
#map = affine_map<(d0, d1) -> (0, 0, 0)>
#map1 = affine_map<(d0, d1) -> (0, 0)>
module attributes {stable_mosaic.version = 14 : i64} {
  func.func @_deg_body(%arg0: i32, %arg1: i32, %arg2: memref<32x640x16xi32, #tpu.memory_space<hbm>>, %arg3: memref<32x10240xf32, #tpu.memory_space<hbm>>, %arg4: memref<640x16xi32, #tpu.memory_space<vmem>>, %arg5: memref<10240xf32, #tpu.memory_space<vmem>>) attributes {dimension_semantics = [#tpu.dimension_semantics<core_parallel>, #tpu.dimension_semantics<subcore_parallel>], iteration_bounds = array<i64: 2, 16>, scalar_prefetch = 0 : i64, scratch_operands = 2 : i64, tpu.core_type = #tpu.core_type<sc_vector_subcore>, window_params = [{transform_indices = #map}, {transform_indices = #map1}]} {
    %mul3A = arith.constant 16 : i32
    %mul3A_0 = arith.muli %arg0, %mul3A : i32
    %add3A = arith.addi %mul3A_0, %arg1 : i32
    "tpu.region"() ({
      %run_scoped3A = tpu.sem_alloc : memref<!tpu.dma_semaphore, #tpu.memory_space<semaphore_mem>>
      %dma_start3A = arith.constant 0 : i32
      %dma_start3A_15 = arith.constant 0 : i32
      %dma_start3A_16 = tpu.memref_slice %arg2[%add3A, %dma_start3A, %dma_start3A_15] : memref<32x640x16xi32, #tpu.memory_space<hbm>> -> memref<1x640x16xi32, #tpu.memory_space<hbm>>
      %dma_start3A_17 = tpu.memref_squeeze %dma_start3A_16 : memref<1x640x16xi32, #tpu.memory_space<hbm>> -> memref<640x16xi32, #tpu.memory_space<hbm>>
      %dma_start3A_18 = arith.constant 0 : i32
      %dma_start3A_19 = arith.constant 0 : i32
      %dma_start3A_20 = tpu.memref_slice %arg2[%add3A, %dma_start3A_18, %dma_start3A_19] : memref<32x640x16xi32, #tpu.memory_space<hbm>> -> memref<1x640x16xi32, #tpu.memory_space<hbm>>
      %dma_start3A_21 = tpu.memref_squeeze %dma_start3A_20 : memref<1x640x16xi32, #tpu.memory_space<hbm>> -> memref<640x16xi32, #tpu.memory_space<hbm>>
      tpu.enqueue_dma source(%dma_start3A_21 : memref<640x16xi32, #tpu.memory_space<hbm>>) target(%arg4 : memref<640x16xi32, #tpu.memory_space<vmem>>) target_semaphore(%run_scoped3A : memref<!tpu.dma_semaphore, #tpu.memory_space<semaphore_mem>>)
      %dma_wait3A = arith.constant 0 : i32
      %dma_wait3A_22 = arith.constant 0 : i32
      %dma_wait3A_23 = tpu.memref_slice %arg2[%add3A, %dma_wait3A, %dma_wait3A_22] : memref<32x640x16xi32, #tpu.memory_space<hbm>> -> memref<1x640x16xi32, #tpu.memory_space<hbm>>
      %dma_wait3A_24 = tpu.memref_squeeze %dma_wait3A_23 : memref<1x640x16xi32, #tpu.memory_space<hbm>> -> memref<640x16xi32, #tpu.memory_space<hbm>>
      %dma_wait3A_25 = arith.constant 0 : i32
      %dma_wait3A_26 = arith.constant 0 : i32
      %dma_wait3A_27 = tpu.memref_slice %arg2[%add3A, %dma_wait3A_25, %dma_wait3A_26] : memref<32x640x16xi32, #tpu.memory_space<hbm>> -> memref<1x640x16xi32, #tpu.memory_space<hbm>>
      %dma_wait3A_28 = tpu.memref_squeeze %dma_wait3A_27 : memref<1x640x16xi32, #tpu.memory_space<hbm>> -> memref<640x16xi32, #tpu.memory_space<hbm>>
      tpu.wait_dma2 semaphore(%run_scoped3A : memref<!tpu.dma_semaphore, #tpu.memory_space<semaphore_mem>>) src(%dma_wait3A_28 : memref<640x16xi32, #tpu.memory_space<hbm>>) dst(%arg4 : memref<640x16xi32, #tpu.memory_space<vmem>>)
      tpu.yield
    }) : () -> ()
    %broadcast_in_dim3A = arith.constant 0.000000e+00 : f32
    %broadcast_in_dim3A_1 = vector.broadcast %broadcast_in_dim3A : f32 to vector<16xf32>
    %broadcast_in_dim3A_2 = arith.constant 1.000000e+00 : f32
    %broadcast_in_dim3A_3 = vector.broadcast %broadcast_in_dim3A_2 : f32 to vector<16xf32>
    %scan3A = arith.constant 0 : i32
    %scan3A_4 = arith.constant 0 : i32
    %scan3A_5 = arith.constant 640 : i32
    %scan3A_6 = arith.addi %scan3A_4, %scan3A_5 : i32
    %scan3A_7 = arith.constant 1 : i32
    scf.for %scan3A_15 = %scan3A_4 to %scan3A_6 step %scan3A_7  : i32 {
      %mul3A_16 = arith.constant 16 : i32
      %mul3A_17 = arith.muli %scan3A_15, %mul3A_16 : i32
      %swap3A = arith.index_cast %mul3A_17 : i32 to index
      %swap3A_18 = tpu.vector_load %arg5[%swap3A] {strides = array<i32>} : memref<10240xf32, #tpu.memory_space<vmem>>, vector<16xf32>,
      tpu.vector_store %arg5[%swap3A], %broadcast_in_dim3A_1 {strides = array<i32>} : memref<10240xf32, #tpu.memory_space<vmem>>, vector<16xf32>,
    }
    %scan3A_8 = arith.constant 640 : i32
    %scan3A_9 = arith.constant 0 : i32
    %scan3A_10 = arith.constant 0 : i32
    %scan3A_11 = arith.constant 640 : i32
    %scan3A_12 = arith.addi %scan3A_10, %scan3A_11 : i32
    %scan3A_13 = arith.constant 1 : i32
    scf.for %scan3A_15 = %scan3A_10 to %scan3A_12 step %scan3A_13  : i32 {
      %get3A = arith.index_cast %scan3A_15 : i32 to index
      %get3A_16 = arith.constant 0 : index
      %get3A_17 = tpu.vector_load %arg4[%get3A, %get3A_16] {strides = array<i32>} : memref<640x16xi32, #tpu.memory_space<vmem>>, vector<16xi32>,
      tpu.vector_store_idx %arg5[%get3A_17], %broadcast_in_dim3A_3 {add = true} : memref<10240xf32, #tpu.memory_space<vmem>>[vector<16xi32>], vector<16xf32>,
    }
    %scan3A_14 = arith.constant 640 : i32
    "tpu.region"() ({
      %run_scoped3A = tpu.sem_alloc : memref<!tpu.dma_semaphore, #tpu.memory_space<semaphore_mem>>
      %dma_start3A = arith.constant 0 : i32
      %dma_start3A_15 = tpu.memref_slice %arg3[%add3A, %dma_start3A] : memref<32x10240xf32, #tpu.memory_space<hbm>> -> memref<1x10240xf32, #tpu.memory_space<hbm>>
      %dma_start3A_16 = tpu.memref_squeeze %dma_start3A_15 : memref<1x10240xf32, #tpu.memory_space<hbm>> -> memref<10240xf32, #tpu.memory_space<hbm>>
      %dma_start3A_17 = arith.constant 0 : i32
      %dma_start3A_18 = tpu.memref_slice %arg3[%add3A, %dma_start3A_17] : memref<32x10240xf32, #tpu.memory_space<hbm>> -> memref<1x10240xf32, #tpu.memory_space<hbm>>
      %dma_start3A_19 = tpu.memref_squeeze %dma_start3A_18 : memref<1x10240xf32, #tpu.memory_space<hbm>> -> memref<10240xf32, #tpu.memory_space<hbm>>
      tpu.enqueue_dma source(%arg5 : memref<10240xf32, #tpu.memory_space<vmem>>) target(%dma_start3A_19 : memref<10240xf32, #tpu.memory_space<hbm>>) target_semaphore(%run_scoped3A : memref<!tpu.dma_semaphore, #tpu.memory_space<semaphore_mem>>)
      %dma_wait3A = arith.constant 0 : i32
      %dma_wait3A_20 = tpu.memref_slice %arg3[%add3A, %dma_wait3A] : memref<32x10240xf32, #tpu.memory_space<hbm>> -> memref<1x10240xf32, #tpu.memory_space<hbm>>
      %dma_wait3A_21 = tpu.memref_squeeze %dma_wait3A_20 : memref<1x10240xf32, #tpu.memory_space<hbm>> -> memref<10240xf32, #tpu.memory_space<hbm>>
      %dma_wait3A_22 = arith.constant 0 : i32
      %dma_wait3A_23 = tpu.memref_slice %arg3[%add3A, %dma_wait3A_22] : memref<32x10240xf32, #tpu.memory_space<hbm>> -> memref<1x10240xf32, #tpu.memory_space<hbm>>
      %dma_wait3A_24 = tpu.memref_squeeze %dma_wait3A_23 : memref<1x10240xf32, #tpu.memory_space<hbm>> -> memref<10240xf32, #tpu.memory_space<hbm>>
      tpu.wait_dma2 semaphore(%run_scoped3A : memref<!tpu.dma_semaphore, #tpu.memory_space<semaphore_mem>>) src(%arg5 : memref<10240xf32, #tpu.memory_space<vmem>>) dst(%dma_wait3A_24 : memref<10240xf32, #tpu.memory_space<hbm>>)
      tpu.yield
    }) : () -> ()
    return
  }
}

#map = affine_map<(d0, d1) -> (0, 0)>
#map1 = affine_map<(d0, d1) -> (0, 0, 0)>
module attributes {stable_mosaic.version = 14 : i64} {
  func.func @body(%arg0: i32, %arg1: i32, %arg2: memref<10240x128xf32, #tpu.memory_space<hbm>>, %arg3: memref<32x80x128xi32, #tpu.memory_space<hbm>>, %arg4: memref<32x80x128xi32, #tpu.memory_space<hbm>>, %arg5: memref<2x10240x128xf32, #tpu.memory_space<hbm>>, %arg6: memref<80x128xi32, #tpu.memory_space<vmem>>, %arg7: memref<80x128xi32, #tpu.memory_space<vmem>>, %arg8: memref<128x128xf32, #tpu.memory_space<vmem>>, %arg9: memref<10240x128xf32, #tpu.memory_space<vmem_shared>>, %arg10: memref<!tpu.dma_semaphore, #tpu.memory_space<semaphore_mem>>) attributes {dimension_semantics = [#tpu.dimension_semantics<core_parallel>, #tpu.dimension_semantics<subcore_parallel>], iteration_bounds = array<i64: 2, 16>, scalar_prefetch = 0 : i64, scratch_operands = 5 : i64, tpu.core_type = #tpu.core_type<sc_vector_subcore>, window_params = [{transform_indices = #map}, {transform_indices = #map1}, {transform_indices = #map1}, {transform_indices = #map1}]} {
    %mul3A = arith.constant 16 : i32
    %mul3A_0 = arith.muli %arg0, %mul3A : i32
    %add3A = arith.addi %mul3A_0, %arg1 : i32
    "tpu.region"() ({
      %run_scoped3A = tpu.sem_alloc : memref<!tpu.dma_semaphore, #tpu.memory_space<semaphore_mem>>
      %dma_start3A = arith.constant 0 : i32
      %dma_start3A_54 = arith.constant 0 : i32
      %dma_start3A_55 = tpu.memref_slice %arg3[%add3A, %dma_start3A, %dma_start3A_54] : memref<32x80x128xi32, #tpu.memory_space<hbm>> -> memref<1x80x128xi32, #tpu.memory_space<hbm>>
      %dma_start3A_56 = tpu.memref_squeeze %dma_start3A_55 : memref<1x80x128xi32, #tpu.memory_space<hbm>> -> memref<80x128xi32, #tpu.memory_space<hbm>>
      %dma_start3A_57 = arith.constant 0 : i32
      %dma_start3A_58 = arith.constant 0 : i32
      %dma_start3A_59 = tpu.memref_slice %arg3[%add3A, %dma_start3A_57, %dma_start3A_58] : memref<32x80x128xi32, #tpu.memory_space<hbm>> -> memref<1x80x128xi32, #tpu.memory_space<hbm>>
      %dma_start3A_60 = tpu.memref_squeeze %dma_start3A_59 : memref<1x80x128xi32, #tpu.memory_space<hbm>> -> memref<80x128xi32, #tpu.memory_space<hbm>>
      tpu.enqueue_dma source(%dma_start3A_60 : memref<80x128xi32, #tpu.memory_space<hbm>>) target(%arg6 : memref<80x128xi32, #tpu.memory_space<vmem>>) target_semaphore(%run_scoped3A : memref<!tpu.dma_semaphore, #tpu.memory_space<semaphore_mem>>)
      %dma_wait3A = arith.constant 0 : i32
      %dma_wait3A_61 = arith.constant 0 : i32
      %dma_wait3A_62 = tpu.memref_slice %arg3[%add3A, %dma_wait3A, %dma_wait3A_61] : memref<32x80x128xi32, #tpu.memory_space<hbm>> -> memref<1x80x128xi32, #tpu.memory_space<hbm>>
      %dma_wait3A_63 = tpu.memref_squeeze %dma_wait3A_62 : memref<1x80x128xi32, #tpu.memory_space<hbm>> -> memref<80x128xi32, #tpu.memory_space<hbm>>
      %dma_wait3A_64 = arith.constant 0 : i32
      %dma_wait3A_65 = arith.constant 0 : i32
      %dma_wait3A_66 = tpu.memref_slice %arg3[%add3A, %dma_wait3A_64, %dma_wait3A_65] : memref<32x80x128xi32, #tpu.memory_space<hbm>> -> memref<1x80x128xi32, #tpu.memory_space<hbm>>
      %dma_wait3A_67 = tpu.memref_squeeze %dma_wait3A_66 : memref<1x80x128xi32, #tpu.memory_space<hbm>> -> memref<80x128xi32, #tpu.memory_space<hbm>>
      tpu.wait_dma2 semaphore(%run_scoped3A : memref<!tpu.dma_semaphore, #tpu.memory_space<semaphore_mem>>) src(%dma_wait3A_67 : memref<80x128xi32, #tpu.memory_space<hbm>>) dst(%arg6 : memref<80x128xi32, #tpu.memory_space<vmem>>)
      tpu.yield
    }) : () -> ()
    "tpu.region"() ({
      %run_scoped3A = tpu.sem_alloc : memref<!tpu.dma_semaphore, #tpu.memory_space<semaphore_mem>>
      %dma_start3A = arith.constant 0 : i32
      %dma_start3A_54 = arith.constant 0 : i32
      %dma_start3A_55 = tpu.memref_slice %arg4[%add3A, %dma_start3A, %dma_start3A_54] : memref<32x80x128xi32, #tpu.memory_space<hbm>> -> memref<1x80x128xi32, #tpu.memory_space<hbm>>
      %dma_start3A_56 = tpu.memref_squeeze %dma_start3A_55 : memref<1x80x128xi32, #tpu.memory_space<hbm>> -> memref<80x128xi32, #tpu.memory_space<hbm>>
      %dma_start3A_57 = arith.constant 0 : i32
      %dma_start3A_58 = arith.constant 0 : i32
      %dma_start3A_59 = tpu.memref_slice %arg4[%add3A, %dma_start3A_57, %dma_start3A_58] : memref<32x80x128xi32, #tpu.memory_space<hbm>> -> memref<1x80x128xi32, #tpu.memory_space<hbm>>
      %dma_start3A_60 = tpu.memref_squeeze %dma_start3A_59 : memref<1x80x128xi32, #tpu.memory_space<hbm>> -> memref<80x128xi32, #tpu.memory_space<hbm>>
      tpu.enqueue_dma source(%dma_start3A_60 : memref<80x128xi32, #tpu.memory_space<hbm>>) target(%arg7 : memref<80x128xi32, #tpu.memory_space<vmem>>) target_semaphore(%run_scoped3A : memref<!tpu.dma_semaphore, #tpu.memory_space<semaphore_mem>>)
      %dma_wait3A = arith.constant 0 : i32
      %dma_wait3A_61 = arith.constant 0 : i32
      %dma_wait3A_62 = tpu.memref_slice %arg4[%add3A, %dma_wait3A, %dma_wait3A_61] : memref<32x80x128xi32, #tpu.memory_space<hbm>> -> memref<1x80x128xi32, #tpu.memory_space<hbm>>
      %dma_wait3A_63 = tpu.memref_squeeze %dma_wait3A_62 : memref<1x80x128xi32, #tpu.memory_space<hbm>> -> memref<80x128xi32, #tpu.memory_space<hbm>>
      %dma_wait3A_64 = arith.constant 0 : i32
      %dma_wait3A_65 = arith.constant 0 : i32
      %dma_wait3A_66 = tpu.memref_slice %arg4[%add3A, %dma_wait3A_64, %dma_wait3A_65] : memref<32x80x128xi32, #tpu.memory_space<hbm>> -> memref<1x80x128xi32, #tpu.memory_space<hbm>>
      %dma_wait3A_67 = tpu.memref_squeeze %dma_wait3A_66 : memref<1x80x128xi32, #tpu.memory_space<hbm>> -> memref<80x128xi32, #tpu.memory_space<hbm>>
      tpu.wait_dma2 semaphore(%run_scoped3A : memref<!tpu.dma_semaphore, #tpu.memory_space<semaphore_mem>>) src(%dma_wait3A_67 : memref<80x128xi32, #tpu.memory_space<hbm>>) dst(%arg7 : memref<80x128xi32, #tpu.memory_space<vmem>>)
      tpu.yield
    }) : () -> ()
    %broadcast_in_dim3A = arith.constant 0.000000e+00 : f32
    %broadcast_in_dim3A_1 = vector.broadcast %broadcast_in_dim3A : f32 to vector<16xf32>
    %scan3A = arith.constant 0 : i32
    %scan3A_2 = arith.constant 0 : i32
    %scan3A_3 = arith.constant 128 : i32
    %scan3A_4 = arith.addi %scan3A_2, %scan3A_3 : i32
    %scan3A_5 = arith.constant 1 : i32
    scf.for %scan3A_54 = %scan3A_2 to %scan3A_4 step %scan3A_5  : i32 {
      %swap3A = arith.index_cast %scan3A_54 : i32 to index
      %swap3A_55 = arith.constant 0 : index
      %swap3A_56 = tpu.vector_load %arg8[%swap3A, %swap3A_55] {strides = array<i32>} : memref<128x128xf32, #tpu.memory_space<vmem>>, vector<1x16xf32>,
      %swap3A_57 = vector.shape_cast %swap3A_56 : vector<1x16xf32> to vector<16xf32>
      %swap3A_58 = vector.shape_cast %broadcast_in_dim3A_1 : vector<16xf32> to vector<1x16xf32>
      tpu.vector_store %arg8[%swap3A, %swap3A_55], %swap3A_58 {strides = array<i32>} : memref<128x128xf32, #tpu.memory_space<vmem>>, vector<1x16xf32>,
      %swap3A_59 = arith.index_cast %scan3A_54 : i32 to index
      %swap3A_60 = arith.constant 16 : index
      %swap3A_61 = tpu.vector_load %arg8[%swap3A_59, %swap3A_60] {strides = array<i32>} : memref<128x128xf32, #tpu.memory_space<vmem>>, vector<1x16xf32>,
      %swap3A_62 = vector.shape_cast %swap3A_61 : vector<1x16xf32> to vector<16xf32>
      %swap3A_63 = vector.shape_cast %broadcast_in_dim3A_1 : vector<16xf32> to vector<1x16xf32>
      tpu.vector_store %arg8[%swap3A_59, %swap3A_60], %swap3A_63 {strides = array<i32>} : memref<128x128xf32, #tpu.memory_space<vmem>>, vector<1x16xf32>,
      %swap3A_64 = arith.index_cast %scan3A_54 : i32 to index
      %swap3A_65 = arith.constant 32 : index
      %swap3A_66 = tpu.vector_load %arg8[%swap3A_64, %swap3A_65] {strides = array<i32>} : memref<128x128xf32, #tpu.memory_space<vmem>>, vector<1x16xf32>,
      %swap3A_67 = vector.shape_cast %swap3A_66 : vector<1x16xf32> to vector<16xf32>
      %swap3A_68 = vector.shape_cast %broadcast_in_dim3A_1 : vector<16xf32> to vector<1x16xf32>
      tpu.vector_store %arg8[%swap3A_64, %swap3A_65], %swap3A_68 {strides = array<i32>} : memref<128x128xf32, #tpu.memory_space<vmem>>, vector<1x16xf32>,
      %swap3A_69 = arith.index_cast %scan3A_54 : i32 to index
      %swap3A_70 = arith.constant 48 : index
      %swap3A_71 = tpu.vector_load %arg8[%swap3A_69, %swap3A_70] {strides = array<i32>} : memref<128x128xf32, #tpu.memory_space<vmem>>, vector<1x16xf32>,
      %swap3A_72 = vector.shape_cast %swap3A_71 : vector<1x16xf32> to vector<16xf32>
      %swap3A_73 = vector.shape_cast %broadcast_in_dim3A_1 : vector<16xf32> to vector<1x16xf32>
      tpu.vector_store %arg8[%swap3A_69, %swap3A_70], %swap3A_73 {strides = array<i32>} : memref<128x128xf32, #tpu.memory_space<vmem>>, vector<1x16xf32>,
      %swap3A_74 = arith.index_cast %scan3A_54 : i32 to index
      %swap3A_75 = arith.constant 64 : index
      %swap3A_76 = tpu.vector_load %arg8[%swap3A_74, %swap3A_75] {strides = array<i32>} : memref<128x128xf32, #tpu.memory_space<vmem>>, vector<1x16xf32>,
      %swap3A_77 = vector.shape_cast %swap3A_76 : vector<1x16xf32> to vector<16xf32>
      %swap3A_78 = vector.shape_cast %broadcast_in_dim3A_1 : vector<16xf32> to vector<1x16xf32>
      tpu.vector_store %arg8[%swap3A_74, %swap3A_75], %swap3A_78 {strides = array<i32>} : memref<128x128xf32, #tpu.memory_space<vmem>>, vector<1x16xf32>,
      %swap3A_79 = arith.index_cast %scan3A_54 : i32 to index
      %swap3A_80 = arith.constant 80 : index
      %swap3A_81 = tpu.vector_load %arg8[%swap3A_79, %swap3A_80] {strides = array<i32>} : memref<128x128xf32, #tpu.memory_space<vmem>>, vector<1x16xf32>,
      %swap3A_82 = vector.shape_cast %swap3A_81 : vector<1x16xf32> to vector<16xf32>
      %swap3A_83 = vector.shape_cast %broadcast_in_dim3A_1 : vector<16xf32> to vector<1x16xf32>
      tpu.vector_store %arg8[%swap3A_79, %swap3A_80], %swap3A_83 {strides = array<i32>} : memref<128x128xf32, #tpu.memory_space<vmem>>, vector<1x16xf32>,
      %swap3A_84 = arith.index_cast %scan3A_54 : i32 to index
      %swap3A_85 = arith.constant 96 : index
      %swap3A_86 = tpu.vector_load %arg8[%swap3A_84, %swap3A_85] {strides = array<i32>} : memref<128x128xf32, #tpu.memory_space<vmem>>, vector<1x16xf32>,
      %swap3A_87 = vector.shape_cast %swap3A_86 : vector<1x16xf32> to vector<16xf32>
      %swap3A_88 = vector.shape_cast %broadcast_in_dim3A_1 : vector<16xf32> to vector<1x16xf32>
      tpu.vector_store %arg8[%swap3A_84, %swap3A_85], %swap3A_88 {strides = array<i32>} : memref<128x128xf32, #tpu.memory_space<vmem>>, vector<1x16xf32>,
      %swap3A_89 = arith.index_cast %scan3A_54 : i32 to index
      %swap3A_90 = arith.constant 112 : index
      %swap3A_91 = tpu.vector_load %arg8[%swap3A_89, %swap3A_90] {strides = array<i32>} : memref<128x128xf32, #tpu.memory_space<vmem>>, vector<1x16xf32>,
      %swap3A_92 = vector.shape_cast %swap3A_91 : vector<1x16xf32> to vector<16xf32>
      %swap3A_93 = vector.shape_cast %broadcast_in_dim3A_1 : vector<16xf32> to vector<1x16xf32>
      tpu.vector_store %arg8[%swap3A_89, %swap3A_90], %swap3A_93 {strides = array<i32>} : memref<128x128xf32, #tpu.memory_space<vmem>>, vector<1x16xf32>,
    }
    %scan3A_6 = arith.constant 128 : i32
    %mul3A_7 = arith.constant 640 : i32
    %mul3A_8 = arith.muli %arg1, %mul3A_7 : i32
    %add3A_9 = arith.constant 0 : i32
    %add3A_10 = arith.addi %mul3A_8, %add3A_9 : i32
    "tpu.region"() ({
      %run_scoped3A = tpu.sem_alloc : memref<!tpu.dma_semaphore, #tpu.memory_space<semaphore_mem>>
      %dma_start3A = arith.constant 0 : i32
      %dma_start3A_54 = tpu.memref_slice %arg9[%add3A_10, %dma_start3A] : memref<10240x128xf32, #tpu.memory_space<vmem_shared>> -> memref<128x128xf32, #tpu.memory_space<vmem_shared>>
      %dma_start3A_55 = arith.constant 0 : i32
      %dma_start3A_56 = tpu.memref_slice %arg9[%add3A_10, %dma_start3A_55] : memref<10240x128xf32, #tpu.memory_space<vmem_shared>> -> memref<128x128xf32, #tpu.memory_space<vmem_shared>>
      tpu.enqueue_dma source(%arg8 : memref<128x128xf32, #tpu.memory_space<vmem>>) target(%dma_start3A_56 : memref<128x128xf32, #tpu.memory_space<vmem_shared>>) target_semaphore(%run_scoped3A : memref<!tpu.dma_semaphore, #tpu.memory_space<semaphore_mem>>)
      %dma_wait3A = arith.constant 0 : i32
      %dma_wait3A_57 = tpu.memref_slice %arg9[%add3A_10, %dma_wait3A] : memref<10240x128xf32, #tpu.memory_space<vmem_shared>> -> memref<128x128xf32, #tpu.memory_space<vmem_shared>>
      %dma_wait3A_58 = arith.constant 0 : i32
      %dma_wait3A_59 = tpu.memref_slice %arg9[%add3A_10, %dma_wait3A_58] : memref<10240x128xf32, #tpu.memory_space<vmem_shared>> -> memref<128x128xf32, #tpu.memory_space<vmem_shared>>
      tpu.wait_dma2 semaphore(%run_scoped3A : memref<!tpu.dma_semaphore, #tpu.memory_space<semaphore_mem>>) src(%arg8 : memref<128x128xf32, #tpu.memory_space<vmem>>) dst(%dma_wait3A_59 : memref<128x128xf32, #tpu.memory_space<vmem_shared>>)
      tpu.yield
    }) : () -> ()
    %mul3A_11 = arith.constant 640 : i32
    %mul3A_12 = arith.muli %arg1, %mul3A_11 : i32
    %add3A_13 = arith.constant 128 : i32
    %add3A_14 = arith.addi %mul3A_12, %add3A_13 : i32
    "tpu.region"() ({
      %run_scoped3A = tpu.sem_alloc : memref<!tpu.dma_semaphore, #tpu.memory_space<semaphore_mem>>
      %dma_start3A = arith.constant 0 : i32
      %dma_start3A_54 = tpu.memref_slice %arg9[%add3A_14, %dma_start3A] : memref<10240x128xf32, #tpu.memory_space<vmem_shared>> -> memref<128x128xf32, #tpu.memory_space<vmem_shared>>
      %dma_start3A_55 = arith.constant 0 : i32
      %dma_start3A_56 = tpu.memref_slice %arg9[%add3A_14, %dma_start3A_55] : memref<10240x128xf32, #tpu.memory_space<vmem_shared>> -> memref<128x128xf32, #tpu.memory_space<vmem_shared>>
      tpu.enqueue_dma source(%arg8 : memref<128x128xf32, #tpu.memory_space<vmem>>) target(%dma_start3A_56 : memref<128x128xf32, #tpu.memory_space<vmem_shared>>) target_semaphore(%run_scoped3A : memref<!tpu.dma_semaphore, #tpu.memory_space<semaphore_mem>>)
      %dma_wait3A = arith.constant 0 : i32
      %dma_wait3A_57 = tpu.memref_slice %arg9[%add3A_14, %dma_wait3A] : memref<10240x128xf32, #tpu.memory_space<vmem_shared>> -> memref<128x128xf32, #tpu.memory_space<vmem_shared>>
      %dma_wait3A_58 = arith.constant 0 : i32
      %dma_wait3A_59 = tpu.memref_slice %arg9[%add3A_14, %dma_wait3A_58] : memref<10240x128xf32, #tpu.memory_space<vmem_shared>> -> memref<128x128xf32, #tpu.memory_space<vmem_shared>>
      tpu.wait_dma2 semaphore(%run_scoped3A : memref<!tpu.dma_semaphore, #tpu.memory_space<semaphore_mem>>) src(%arg8 : memref<128x128xf32, #tpu.memory_space<vmem>>) dst(%dma_wait3A_59 : memref<128x128xf32, #tpu.memory_space<vmem_shared>>)
      tpu.yield
    }) : () -> ()
    %mul3A_15 = arith.constant 640 : i32
    %mul3A_16 = arith.muli %arg1, %mul3A_15 : i32
    %add3A_17 = arith.constant 256 : i32
    %add3A_18 = arith.addi %mul3A_16, %add3A_17 : i32
    "tpu.region"() ({
      %run_scoped3A = tpu.sem_alloc : memref<!tpu.dma_semaphore, #tpu.memory_space<semaphore_mem>>
      %dma_start3A = arith.constant 0 : i32
      %dma_start3A_54 = tpu.memref_slice %arg9[%add3A_18, %dma_start3A] : memref<10240x128xf32, #tpu.memory_space<vmem_shared>> -> memref<128x128xf32, #tpu.memory_space<vmem_shared>>
      %dma_start3A_55 = arith.constant 0 : i32
      %dma_start3A_56 = tpu.memref_slice %arg9[%add3A_18, %dma_start3A_55] : memref<10240x128xf32, #tpu.memory_space<vmem_shared>> -> memref<128x128xf32, #tpu.memory_space<vmem_shared>>
      tpu.enqueue_dma source(%arg8 : memref<128x128xf32, #tpu.memory_space<vmem>>) target(%dma_start3A_56 : memref<128x128xf32, #tpu.memory_space<vmem_shared>>) target_semaphore(%run_scoped3A : memref<!tpu.dma_semaphore, #tpu.memory_space<semaphore_mem>>)
      %dma_wait3A = arith.constant 0 : i32
      %dma_wait3A_57 = tpu.memref_slice %arg9[%add3A_18, %dma_wait3A] : memref<10240x128xf32, #tpu.memory_space<vmem_shared>> -> memref<128x128xf32, #tpu.memory_space<vmem_shared>>
      %dma_wait3A_58 = arith.constant 0 : i32
      %dma_wait3A_59 = tpu.memref_slice %arg9[%add3A_18, %dma_wait3A_58] : memref<10240x128xf32, #tpu.memory_space<vmem_shared>> -> memref<128x128xf32, #tpu.memory_space<vmem_shared>>
      tpu.wait_dma2 semaphore(%run_scoped3A : memref<!tpu.dma_semaphore, #tpu.memory_space<semaphore_mem>>) src(%arg8 : memref<128x128xf32, #tpu.memory_space<vmem>>) dst(%dma_wait3A_59 : memref<128x128xf32, #tpu.memory_space<vmem_shared>>)
      tpu.yield
    }) : () -> ()
    %mul3A_19 = arith.constant 640 : i32
    %mul3A_20 = arith.muli %arg1, %mul3A_19 : i32
    %add3A_21 = arith.constant 384 : i32
    %add3A_22 = arith.addi %mul3A_20, %add3A_21 : i32
    "tpu.region"() ({
      %run_scoped3A = tpu.sem_alloc : memref<!tpu.dma_semaphore, #tpu.memory_space<semaphore_mem>>
      %dma_start3A = arith.constant 0 : i32
      %dma_start3A_54 = tpu.memref_slice %arg9[%add3A_22, %dma_start3A] : memref<10240x128xf32, #tpu.memory_space<vmem_shared>> -> memref<128x128xf32, #tpu.memory_space<vmem_shared>>
      %dma_start3A_55 = arith.constant 0 : i32
      %dma_start3A_56 = tpu.memref_slice %arg9[%add3A_22, %dma_start3A_55] : memref<10240x128xf32, #tpu.memory_space<vmem_shared>> -> memref<128x128xf32, #tpu.memory_space<vmem_shared>>
      tpu.enqueue_dma source(%arg8 : memref<128x128xf32, #tpu.memory_space<vmem>>) target(%dma_start3A_56 : memref<128x128xf32, #tpu.memory_space<vmem_shared>>) target_semaphore(%run_scoped3A : memref<!tpu.dma_semaphore, #tpu.memory_space<semaphore_mem>>)
      %dma_wait3A = arith.constant 0 : i32
      %dma_wait3A_57 = tpu.memref_slice %arg9[%add3A_22, %dma_wait3A] : memref<10240x128xf32, #tpu.memory_space<vmem_shared>> -> memref<128x128xf32, #tpu.memory_space<vmem_shared>>
      %dma_wait3A_58 = arith.constant 0 : i32
      %dma_wait3A_59 = tpu.memref_slice %arg9[%add3A_22, %dma_wait3A_58] : memref<10240x128xf32, #tpu.memory_space<vmem_shared>> -> memref<128x128xf32, #tpu.memory_space<vmem_shared>>
      tpu.wait_dma2 semaphore(%run_scoped3A : memref<!tpu.dma_semaphore, #tpu.memory_space<semaphore_mem>>) src(%arg8 : memref<128x128xf32, #tpu.memory_space<vmem>>) dst(%dma_wait3A_59 : memref<128x128xf32, #tpu.memory_space<vmem_shared>>)
      tpu.yield
    }) : () -> ()
    %mul3A_23 = arith.constant 640 : i32
    %mul3A_24 = arith.muli %arg1, %mul3A_23 : i32
    %add3A_25 = arith.constant 512 : i32
    %add3A_26 = arith.addi %mul3A_24, %add3A_25 : i32
    "tpu.region"() ({
      %run_scoped3A = tpu.sem_alloc : memref<!tpu.dma_semaphore, #tpu.memory_space<semaphore_mem>>
      %dma_start3A = arith.constant 0 : i32
      %dma_start3A_54 = tpu.memref_slice %arg9[%add3A_26, %dma_start3A] : memref<10240x128xf32, #tpu.memory_space<vmem_shared>> -> memref<128x128xf32, #tpu.memory_space<vmem_shared>>
      %dma_start3A_55 = arith.constant 0 : i32
      %dma_start3A_56 = tpu.memref_slice %arg9[%add3A_26, %dma_start3A_55] : memref<10240x128xf32, #tpu.memory_space<vmem_shared>> -> memref<128x128xf32, #tpu.memory_space<vmem_shared>>
      tpu.enqueue_dma source(%arg8 : memref<128x128xf32, #tpu.memory_space<vmem>>) target(%dma_start3A_56 : memref<128x128xf32, #tpu.memory_space<vmem_shared>>) target_semaphore(%run_scoped3A : memref<!tpu.dma_semaphore, #tpu.memory_space<semaphore_mem>>)
      %dma_wait3A = arith.constant 0 : i32
      %dma_wait3A_57 = tpu.memref_slice %arg9[%add3A_26, %dma_wait3A] : memref<10240x128xf32, #tpu.memory_space<vmem_shared>> -> memref<128x128xf32, #tpu.memory_space<vmem_shared>>
      %dma_wait3A_58 = arith.constant 0 : i32
      %dma_wait3A_59 = tpu.memref_slice %arg9[%add3A_26, %dma_wait3A_58] : memref<10240x128xf32, #tpu.memory_space<vmem_shared>> -> memref<128x128xf32, #tpu.memory_space<vmem_shared>>
      tpu.wait_dma2 semaphore(%run_scoped3A : memref<!tpu.dma_semaphore, #tpu.memory_space<semaphore_mem>>) src(%arg8 : memref<128x128xf32, #tpu.memory_space<vmem>>) dst(%dma_wait3A_59 : memref<128x128xf32, #tpu.memory_space<vmem_shared>>)
      tpu.yield
    }) : () -> ()
    %barrier3A = arith.constant 0 : index
    tpu.barrier barrier_id(%barrier3A)
    %scan3A_27 = arith.constant 0 : i32
    %scan3A_28 = arith.constant 0 : i32
    %scan3A_29 = arith.constant 80 : i32
    %scan3A_30 = arith.addi %scan3A_28, %scan3A_29 : i32
    %scan3A_31 = arith.constant 1 : i32
    scf.for %scan3A_54 = %scan3A_28 to %scan3A_30 step %scan3A_31  : i32 {
      %dma_start3A = arith.constant 0 : i32
      %dma_start3A_55 = tpu.memref_slice %arg6[%scan3A_54, %dma_start3A] : memref<80x128xi32, #tpu.memory_space<vmem>> -> memref<1x128xi32, #tpu.memory_space<vmem>>
      %dma_start3A_56 = tpu.memref_squeeze %dma_start3A_55 : memref<1x128xi32, #tpu.memory_space<vmem>> -> memref<128xi32, #tpu.memory_space<vmem>>
      %dma_start3A_57 = arith.constant 0 : i32
      %dma_start3A_58 = arith.constant 0 : i32
      %dma_start3A_59 = tpu.memref_slice %arg2[%dma_start3A_57, %dma_start3A_58] : memref<10240x128xf32, #tpu.memory_space<hbm>> -> memref<10240x128xf32, #tpu.memory_space<hbm>>
      tpu.enqueue_indirect_dma source(%dma_start3A_59 : memref<10240x128xf32, #tpu.memory_space<hbm>>) target(%arg8 : memref<128x128xf32, #tpu.memory_space<vmem>>) offsets(%dma_start3A_56 : memref<128xi32, #tpu.memory_space<vmem>>) semaphore(%arg10 : memref<!tpu.dma_semaphore, #tpu.memory_space<semaphore_mem>>)
      %dma_wait3A = arith.constant 0 : i32
      %dma_wait3A_60 = tpu.memref_slice %arg6[%scan3A_54, %dma_wait3A] : memref<80x128xi32, #tpu.memory_space<vmem>> -> memref<1x128xi32, #tpu.memory_space<vmem>>
      %dma_wait3A_61 = tpu.memref_squeeze %dma_wait3A_60 : memref<1x128xi32, #tpu.memory_space<vmem>> -> memref<128xi32, #tpu.memory_space<vmem>>
      %dma_wait3A_62 = arith.constant 0 : i32
      %dma_wait3A_63 = arith.constant 0 : i32
      %dma_wait3A_64 = tpu.memref_slice %arg2[%dma_wait3A_62, %dma_wait3A_63] : memref<10240x128xf32, #tpu.memory_space<hbm>> -> memref<10240x128xf32, #tpu.memory_space<hbm>>
      tpu.wait_indirect_dma semaphore(%arg10 : memref<!tpu.dma_semaphore, #tpu.memory_space<semaphore_mem>>) src(%dma_wait3A_64 : memref<10240x128xf32, #tpu.memory_space<hbm>>) dst(%arg8 : memref<128x128xf32, #tpu.memory_space<vmem>>)
      "tpu.region"() ({
        %run_scoped3A = tpu.sem_alloc : memref<!tpu.dma_semaphore, #tpu.memory_space<semaphore_mem>>
        %dma_start3A_65 = arith.constant 0 : i32
        %dma_start3A_66 = tpu.memref_slice %arg7[%scan3A_54, %dma_start3A_65] : memref<80x128xi32, #tpu.memory_space<vmem>> -> memref<1x128xi32, #tpu.memory_space<vmem>>
        %dma_start3A_67 = tpu.memref_squeeze %dma_start3A_66 : memref<1x128xi32, #tpu.memory_space<vmem>> -> memref<128xi32, #tpu.memory_space<vmem>>
        %dma_start3A_68 = arith.constant 0 : i32
        %dma_start3A_69 = arith.constant 0 : i32
        %dma_start3A_70 = tpu.memref_slice %arg9[%dma_start3A_68, %dma_start3A_69] : memref<10240x128xf32, #tpu.memory_space<vmem_shared>> -> memref<10240x128xf32, #tpu.memory_space<vmem_shared>>
        tpu.enqueue_indirect_dma source(%arg8 : memref<128x128xf32, #tpu.memory_space<vmem>>) target(%dma_start3A_70 : memref<10240x128xf32, #tpu.memory_space<vmem_shared>>) offsets(%dma_start3A_67 : memref<128xi32, #tpu.memory_space<vmem>>) semaphore(%run_scoped3A : memref<!tpu.dma_semaphore, #tpu.memory_space<semaphore_mem>>) {add = true}
        %dma_wait3A_71 = arith.constant 0 : i32
        %dma_wait3A_72 = tpu.memref_slice %arg7[%scan3A_54, %dma_wait3A_71] : memref<80x128xi32, #tpu.memory_space<vmem>> -> memref<1x128xi32, #tpu.memory_space<vmem>>
        %dma_wait3A_73 = tpu.memref_squeeze %dma_wait3A_72 : memref<1x128xi32, #tpu.memory_space<vmem>> -> memref<128xi32, #tpu.memory_space<vmem>>
        %dma_wait3A_74 = arith.constant 0 : i32
        %dma_wait3A_75 = arith.constant 0 : i32
        %dma_wait3A_76 = tpu.memref_slice %arg9[%dma_wait3A_74, %dma_wait3A_75] : memref<10240x128xf32, #tpu.memory_space<vmem_shared>> -> memref<10240x128xf32, #tpu.memory_space<vmem_shared>>
        tpu.wait_indirect_dma semaphore(%run_scoped3A : memref<!tpu.dma_semaphore, #tpu.memory_space<semaphore_mem>>) src(%arg8 : memref<128x128xf32, #tpu.memory_space<vmem>>) dst(%dma_wait3A_76 : memref<10240x128xf32, #tpu.memory_space<vmem_shared>>)
        tpu.yield
      }) : () -> ()
    }
    %scan3A_32 = arith.constant 80 : i32
    %barrier3A_33 = arith.constant 0 : index
    tpu.barrier barrier_id(%barrier3A_33)
    %mul3A_34 = arith.constant 640 : i32
    %mul3A_35 = arith.muli %arg1, %mul3A_34 : i32
    %add3A_36 = arith.constant 0 : i32
    %add3A_37 = arith.addi %mul3A_35, %add3A_36 : i32
    "tpu.region"() ({
      %run_scoped3A = tpu.sem_alloc : memref<!tpu.dma_semaphore, #tpu.memory_space<semaphore_mem>>
      %dma_start3A = arith.constant 0 : i32
      %dma_start3A_54 = tpu.memref_slice %arg5[%arg0, %add3A_37, %dma_start3A] : memref<2x10240x128xf32, #tpu.memory_space<hbm>> -> memref<1x128x128xf32, #tpu.memory_space<hbm>>
      %dma_start3A_55 = tpu.memref_squeeze %dma_start3A_54 : memref<1x128x128xf32, #tpu.memory_space<hbm>> -> memref<128x128xf32, #tpu.memory_space<hbm>>
      %dma_start3A_56 = arith.constant 0 : i32
      %dma_start3A_57 = tpu.memref_slice %arg9[%add3A_37, %dma_start3A_56] : memref<10240x128xf32, #tpu.memory_space<vmem_shared>> -> memref<128x128xf32, #tpu.memory_space<vmem_shared>>
      tpu.enqueue_dma source(%dma_start3A_57 : memref<128x128xf32, #tpu.memory_space<vmem_shared>>) target(%dma_start3A_55 : memref<128x128xf32, #tpu.memory_space<hbm>>) target_semaphore(%run_scoped3A : memref<!tpu.dma_semaphore, #tpu.memory_space<semaphore_mem>>)
      %dma_wait3A = arith.constant 0 : i32
      %dma_wait3A_58 = tpu.memref_slice %arg5[%arg0, %add3A_37, %dma_wait3A] : memref<2x10240x128xf32, #tpu.memory_space<hbm>> -> memref<1x128x128xf32, #tpu.memory_space<hbm>>
      %dma_wait3A_59 = tpu.memref_squeeze %dma_wait3A_58 : memref<1x128x128xf32, #tpu.memory_space<hbm>> -> memref<128x128xf32, #tpu.memory_space<hbm>>
      %dma_wait3A_60 = arith.constant 0 : i32
      %dma_wait3A_61 = tpu.memref_slice %arg9[%add3A_37, %dma_wait3A_60] : memref<10240x128xf32, #tpu.memory_space<vmem_shared>> -> memref<128x128xf32, #tpu.memory_space<vmem_shared>>
      tpu.wait_dma2 semaphore(%run_scoped3A : memref<!tpu.dma_semaphore, #tpu.memory_space<semaphore_mem>>) src(%dma_wait3A_61 : memref<128x128xf32, #tpu.memory_space<vmem_shared>>) dst(%dma_wait3A_59 : memref<128x128xf32, #tpu.memory_space<hbm>>)
      tpu.yield
    }) : () -> ()
    %mul3A_38 = arith.constant 640 : i32
    %mul3A_39 = arith.muli %arg1, %mul3A_38 : i32
    %add3A_40 = arith.constant 128 : i32
    %add3A_41 = arith.addi %mul3A_39, %add3A_40 : i32
    "tpu.region"() ({
      %run_scoped3A = tpu.sem_alloc : memref<!tpu.dma_semaphore, #tpu.memory_space<semaphore_mem>>
      %dma_start3A = arith.constant 0 : i32
      %dma_start3A_54 = tpu.memref_slice %arg5[%arg0, %add3A_41, %dma_start3A] : memref<2x10240x128xf32, #tpu.memory_space<hbm>> -> memref<1x128x128xf32, #tpu.memory_space<hbm>>
      %dma_start3A_55 = tpu.memref_squeeze %dma_start3A_54 : memref<1x128x128xf32, #tpu.memory_space<hbm>> -> memref<128x128xf32, #tpu.memory_space<hbm>>
      %dma_start3A_56 = arith.constant 0 : i32
      %dma_start3A_57 = tpu.memref_slice %arg9[%add3A_41, %dma_start3A_56] : memref<10240x128xf32, #tpu.memory_space<vmem_shared>> -> memref<128x128xf32, #tpu.memory_space<vmem_shared>>
      tpu.enqueue_dma source(%dma_start3A_57 : memref<128x128xf32, #tpu.memory_space<vmem_shared>>) target(%dma_start3A_55 : memref<128x128xf32, #tpu.memory_space<hbm>>) target_semaphore(%run_scoped3A : memref<!tpu.dma_semaphore, #tpu.memory_space<semaphore_mem>>)
      %dma_wait3A = arith.constant 0 : i32
      %dma_wait3A_58 = tpu.memref_slice %arg5[%arg0, %add3A_41, %dma_wait3A] : memref<2x10240x128xf32, #tpu.memory_space<hbm>> -> memref<1x128x128xf32, #tpu.memory_space<hbm>>
      %dma_wait3A_59 = tpu.memref_squeeze %dma_wait3A_58 : memref<1x128x128xf32, #tpu.memory_space<hbm>> -> memref<128x128xf32, #tpu.memory_space<hbm>>
      %dma_wait3A_60 = arith.constant 0 : i32
      %dma_wait3A_61 = tpu.memref_slice %arg9[%add3A_41, %dma_wait3A_60] : memref<10240x128xf32, #tpu.memory_space<vmem_shared>> -> memref<128x128xf32, #tpu.memory_space<vmem_shared>>
      tpu.wait_dma2 semaphore(%run_scoped3A : memref<!tpu.dma_semaphore, #tpu.memory_space<semaphore_mem>>) src(%dma_wait3A_61 : memref<128x128xf32, #tpu.memory_space<vmem_shared>>) dst(%dma_wait3A_59 : memref<128x128xf32, #tpu.memory_space<hbm>>)
      tpu.yield
    }) : () -> ()
    %mul3A_42 = arith.constant 640 : i32
    %mul3A_43 = arith.muli %arg1, %mul3A_42 : i32
    %add3A_44 = arith.constant 256 : i32
    %add3A_45 = arith.addi %mul3A_43, %add3A_44 : i32
    "tpu.region"() ({
      %run_scoped3A = tpu.sem_alloc : memref<!tpu.dma_semaphore, #tpu.memory_space<semaphore_mem>>
      %dma_start3A = arith.constant 0 : i32
      %dma_start3A_54 = tpu.memref_slice %arg5[%arg0, %add3A_45, %dma_start3A] : memref<2x10240x128xf32, #tpu.memory_space<hbm>> -> memref<1x128x128xf32, #tpu.memory_space<hbm>>
      %dma_start3A_55 = tpu.memref_squeeze %dma_start3A_54 : memref<1x128x128xf32, #tpu.memory_space<hbm>> -> memref<128x128xf32, #tpu.memory_space<hbm>>
      %dma_start3A_56 = arith.constant 0 : i32
      %dma_start3A_57 = tpu.memref_slice %arg9[%add3A_45, %dma_start3A_56] : memref<10240x128xf32, #tpu.memory_space<vmem_shared>> -> memref<128x128xf32, #tpu.memory_space<vmem_shared>>
      tpu.enqueue_dma source(%dma_start3A_57 : memref<128x128xf32, #tpu.memory_space<vmem_shared>>) target(%dma_start3A_55 : memref<128x128xf32, #tpu.memory_space<hbm>>) target_semaphore(%run_scoped3A : memref<!tpu.dma_semaphore, #tpu.memory_space<semaphore_mem>>)
      %dma_wait3A = arith.constant 0 : i32
      %dma_wait3A_58 = tpu.memref_slice %arg5[%arg0, %add3A_45, %dma_wait3A] : memref<2x10240x128xf32, #tpu.memory_space<hbm>> -> memref<1x128x128xf32, #tpu.memory_space<hbm>>
      %dma_wait3A_59 = tpu.memref_squeeze %dma_wait3A_58 : memref<1x128x128xf32, #tpu.memory_space<hbm>> -> memref<128x128xf32, #tpu.memory_space<hbm>>
      %dma_wait3A_60 = arith.constant 0 : i32
      %dma_wait3A_61 = tpu.memref_slice %arg9[%add3A_45, %dma_wait3A_60] : memref<10240x128xf32, #tpu.memory_space<vmem_shared>> -> memref<128x128xf32, #tpu.memory_space<vmem_shared>>
      tpu.wait_dma2 semaphore(%run_scoped3A : memref<!tpu.dma_semaphore, #tpu.memory_space<semaphore_mem>>) src(%dma_wait3A_61 : memref<128x128xf32, #tpu.memory_space<vmem_shared>>) dst(%dma_wait3A_59 : memref<128x128xf32, #tpu.memory_space<hbm>>)
      tpu.yield
    }) : () -> ()
    %mul3A_46 = arith.constant 640 : i32
    %mul3A_47 = arith.muli %arg1, %mul3A_46 : i32
    %add3A_48 = arith.constant 384 : i32
    %add3A_49 = arith.addi %mul3A_47, %add3A_48 : i32
    "tpu.region"() ({
      %run_scoped3A = tpu.sem_alloc : memref<!tpu.dma_semaphore, #tpu.memory_space<semaphore_mem>>
      %dma_start3A = arith.constant 0 : i32
      %dma_start3A_54 = tpu.memref_slice %arg5[%arg0, %add3A_49, %dma_start3A] : memref<2x10240x128xf32, #tpu.memory_space<hbm>> -> memref<1x128x128xf32, #tpu.memory_space<hbm>>
      %dma_start3A_55 = tpu.memref_squeeze %dma_start3A_54 : memref<1x128x128xf32, #tpu.memory_space<hbm>> -> memref<128x128xf32, #tpu.memory_space<hbm>>
      %dma_start3A_56 = arith.constant 0 : i32
      %dma_start3A_57 = tpu.memref_slice %arg9[%add3A_49, %dma_start3A_56] : memref<10240x128xf32, #tpu.memory_space<vmem_shared>> -> memref<128x128xf32, #tpu.memory_space<vmem_shared>>
      tpu.enqueue_dma source(%dma_start3A_57 : memref<128x128xf32, #tpu.memory_space<vmem_shared>>) target(%dma_start3A_55 : memref<128x128xf32, #tpu.memory_space<hbm>>) target_semaphore(%run_scoped3A : memref<!tpu.dma_semaphore, #tpu.memory_space<semaphore_mem>>)
      %dma_wait3A = arith.constant 0 : i32
      %dma_wait3A_58 = tpu.memref_slice %arg5[%arg0, %add3A_49, %dma_wait3A] : memref<2x10240x128xf32, #tpu.memory_space<hbm>> -> memref<1x128x128xf32, #tpu.memory_space<hbm>>
      %dma_wait3A_59 = tpu.memref_squeeze %dma_wait3A_58 : memref<1x128x128xf32, #tpu.memory_space<hbm>> -> memref<128x128xf32, #tpu.memory_space<hbm>>
      %dma_wait3A_60 = arith.constant 0 : i32
      %dma_wait3A_61 = tpu.memref_slice %arg9[%add3A_49, %dma_wait3A_60] : memref<10240x128xf32, #tpu.memory_space<vmem_shared>> -> memref<128x128xf32, #tpu.memory_space<vmem_shared>>
      tpu.wait_dma2 semaphore(%run_scoped3A : memref<!tpu.dma_semaphore, #tpu.memory_space<semaphore_mem>>) src(%dma_wait3A_61 : memref<128x128xf32, #tpu.memory_space<vmem_shared>>) dst(%dma_wait3A_59 : memref<128x128xf32, #tpu.memory_space<hbm>>)
      tpu.yield
    }) : () -> ()
    %mul3A_50 = arith.constant 640 : i32
    %mul3A_51 = arith.muli %arg1, %mul3A_50 : i32
    %add3A_52 = arith.constant 512 : i32
    %add3A_53 = arith.addi %mul3A_51, %add3A_52 : i32
    "tpu.region"() ({
      %run_scoped3A = tpu.sem_alloc : memref<!tpu.dma_semaphore, #tpu.memory_space<semaphore_mem>>
      %dma_start3A = arith.constant 0 : i32
      %dma_start3A_54 = tpu.memref_slice %arg5[%arg0, %add3A_53, %dma_start3A] : memref<2x10240x128xf32, #tpu.memory_space<hbm>> -> memref<1x128x128xf32, #tpu.memory_space<hbm>>
      %dma_start3A_55 = tpu.memref_squeeze %dma_start3A_54 : memref<1x128x128xf32, #tpu.memory_space<hbm>> -> memref<128x128xf32, #tpu.memory_space<hbm>>
      %dma_start3A_56 = arith.constant 0 : i32
      %dma_start3A_57 = tpu.memref_slice %arg9[%add3A_53, %dma_start3A_56] : memref<10240x128xf32, #tpu.memory_space<vmem_shared>> -> memref<128x128xf32, #tpu.memory_space<vmem_shared>>
      tpu.enqueue_dma source(%dma_start3A_57 : memref<128x128xf32, #tpu.memory_space<vmem_shared>>) target(%dma_start3A_55 : memref<128x128xf32, #tpu.memory_space<hbm>>) target_semaphore(%run_scoped3A : memref<!tpu.dma_semaphore, #tpu.memory_space<semaphore_mem>>)
      %dma_wait3A = arith.constant 0 : i32
      %dma_wait3A_58 = tpu.memref_slice %arg5[%arg0, %add3A_53, %dma_wait3A] : memref<2x10240x128xf32, #tpu.memory_space<hbm>> -> memref<1x128x128xf32, #tpu.memory_space<hbm>>
      %dma_wait3A_59 = tpu.memref_squeeze %dma_wait3A_58 : memref<1x128x128xf32, #tpu.memory_space<hbm>> -> memref<128x128xf32, #tpu.memory_space<hbm>>
      %dma_wait3A_60 = arith.constant 0 : i32
      %dma_wait3A_61 = tpu.memref_slice %arg9[%add3A_53, %dma_wait3A_60] : memref<10240x128xf32, #tpu.memory_space<vmem_shared>> -> memref<128x128xf32, #tpu.memory_space<vmem_shared>>
      tpu.wait_dma2 semaphore(%run_scoped3A : memref<!tpu.dma_semaphore, #tpu.memory_space<semaphore_mem>>) src(%dma_wait3A_61 : memref<128x128xf32, #tpu.memory_space<vmem_shared>>) dst(%dma_wait3A_59 : memref<128x128xf32, #tpu.memory_space<hbm>>)
      tpu.yield
    }) : () -> ()
    return
  }
}

#map = affine_map<(d0, d1) -> (0, 0)>
#map1 = affine_map<(d0, d1) -> (0, 0, 0)>
module attributes {stable_mosaic.version = 14 : i64} {
  func.func @body(%arg0: i32, %arg1: i32, %arg2: memref<10240x128xf32, #tpu.memory_space<hbm>>, %arg3: memref<32x80x128xi32, #tpu.memory_space<hbm>>, %arg4: memref<32x80x128xi32, #tpu.memory_space<hbm>>, %arg5: memref<2x10240x128xf32, #tpu.memory_space<hbm>>, %arg6: memref<80x128xi32, #tpu.memory_space<vmem>>, %arg7: memref<80x128xi32, #tpu.memory_space<vmem>>, %arg8: memref<128x128xf32, #tpu.memory_space<vmem>>, %arg9: memref<10240x128xf32, #tpu.memory_space<vmem_shared>>, %arg10: memref<!tpu.dma_semaphore, #tpu.memory_space<semaphore_mem>>) attributes {dimension_semantics = [#tpu.dimension_semantics<core_parallel>, #tpu.dimension_semantics<subcore_parallel>], iteration_bounds = array<i64: 2, 16>, scalar_prefetch = 0 : i64, scratch_operands = 5 : i64, tpu.core_type = #tpu.core_type<sc_vector_subcore>, window_params = [{transform_indices = #map}, {transform_indices = #map1}, {transform_indices = #map1}, {transform_indices = #map1}]} {
    %mul3A = arith.constant 16 : i32
    %mul3A_0 = arith.muli %arg0, %mul3A : i32
    %add3A = arith.addi %mul3A_0, %arg1 : i32
    "tpu.region"() ({
      %run_scoped3A = tpu.sem_alloc : memref<!tpu.dma_semaphore, #tpu.memory_space<semaphore_mem>>
      %dma_start3A = arith.constant 0 : i32
      %dma_start3A_54 = arith.constant 0 : i32
      %dma_start3A_55 = tpu.memref_slice %arg3[%add3A, %dma_start3A, %dma_start3A_54] : memref<32x80x128xi32, #tpu.memory_space<hbm>> -> memref<1x80x128xi32, #tpu.memory_space<hbm>>
      %dma_start3A_56 = tpu.memref_squeeze %dma_start3A_55 : memref<1x80x128xi32, #tpu.memory_space<hbm>> -> memref<80x128xi32, #tpu.memory_space<hbm>>
      %dma_start3A_57 = arith.constant 0 : i32
      %dma_start3A_58 = arith.constant 0 : i32
      %dma_start3A_59 = tpu.memref_slice %arg3[%add3A, %dma_start3A_57, %dma_start3A_58] : memref<32x80x128xi32, #tpu.memory_space<hbm>> -> memref<1x80x128xi32, #tpu.memory_space<hbm>>
      %dma_start3A_60 = tpu.memref_squeeze %dma_start3A_59 : memref<1x80x128xi32, #tpu.memory_space<hbm>> -> memref<80x128xi32, #tpu.memory_space<hbm>>
      tpu.enqueue_dma source(%dma_start3A_60 : memref<80x128xi32, #tpu.memory_space<hbm>>) target(%arg6 : memref<80x128xi32, #tpu.memory_space<vmem>>) target_semaphore(%run_scoped3A : memref<!tpu.dma_semaphore, #tpu.memory_space<semaphore_mem>>)
      %dma_wait3A = arith.constant 0 : i32
      %dma_wait3A_61 = arith.constant 0 : i32
      %dma_wait3A_62 = tpu.memref_slice %arg3[%add3A, %dma_wait3A, %dma_wait3A_61] : memref<32x80x128xi32, #tpu.memory_space<hbm>> -> memref<1x80x128xi32, #tpu.memory_space<hbm>>
      %dma_wait3A_63 = tpu.memref_squeeze %dma_wait3A_62 : memref<1x80x128xi32, #tpu.memory_space<hbm>> -> memref<80x128xi32, #tpu.memory_space<hbm>>
      %dma_wait3A_64 = arith.constant 0 : i32
      %dma_wait3A_65 = arith.constant 0 : i32
      %dma_wait3A_66 = tpu.memref_slice %arg3[%add3A, %dma_wait3A_64, %dma_wait3A_65] : memref<32x80x128xi32, #tpu.memory_space<hbm>> -> memref<1x80x128xi32, #tpu.memory_space<hbm>>
      %dma_wait3A_67 = tpu.memref_squeeze %dma_wait3A_66 : memref<1x80x128xi32, #tpu.memory_space<hbm>> -> memref<80x128xi32, #tpu.memory_space<hbm>>
      tpu.wait_dma2 semaphore(%run_scoped3A : memref<!tpu.dma_semaphore, #tpu.memory_space<semaphore_mem>>) src(%dma_wait3A_67 : memref<80x128xi32, #tpu.memory_space<hbm>>) dst(%arg6 : memref<80x128xi32, #tpu.memory_space<vmem>>)
      tpu.yield
    }) : () -> ()
    "tpu.region"() ({
      %run_scoped3A = tpu.sem_alloc : memref<!tpu.dma_semaphore, #tpu.memory_space<semaphore_mem>>
      %dma_start3A = arith.constant 0 : i32
      %dma_start3A_54 = arith.constant 0 : i32
      %dma_start3A_55 = tpu.memref_slice %arg4[%add3A, %dma_start3A, %dma_start3A_54] : memref<32x80x128xi32, #tpu.memory_space<hbm>> -> memref<1x80x128xi32, #tpu.memory_space<hbm>>
      %dma_start3A_56 = tpu.memref_squeeze %dma_start3A_55 : memref<1x80x128xi32, #tpu.memory_space<hbm>> -> memref<80x128xi32, #tpu.memory_space<hbm>>
      %dma_start3A_57 = arith.constant 0 : i32
      %dma_start3A_58 = arith.constant 0 : i32
      %dma_start3A_59 = tpu.memref_slice %arg4[%add3A, %dma_start3A_57, %dma_start3A_58] : memref<32x80x128xi32, #tpu.memory_space<hbm>> -> memref<1x80x128xi32, #tpu.memory_space<hbm>>
      %dma_start3A_60 = tpu.memref_squeeze %dma_start3A_59 : memref<1x80x128xi32, #tpu.memory_space<hbm>> -> memref<80x128xi32, #tpu.memory_space<hbm>>
      tpu.enqueue_dma source(%dma_start3A_60 : memref<80x128xi32, #tpu.memory_space<hbm>>) target(%arg7 : memref<80x128xi32, #tpu.memory_space<vmem>>) target_semaphore(%run_scoped3A : memref<!tpu.dma_semaphore, #tpu.memory_space<semaphore_mem>>)
      %dma_wait3A = arith.constant 0 : i32
      %dma_wait3A_61 = arith.constant 0 : i32
      %dma_wait3A_62 = tpu.memref_slice %arg4[%add3A, %dma_wait3A, %dma_wait3A_61] : memref<32x80x128xi32, #tpu.memory_space<hbm>> -> memref<1x80x128xi32, #tpu.memory_space<hbm>>
      %dma_wait3A_63 = tpu.memref_squeeze %dma_wait3A_62 : memref<1x80x128xi32, #tpu.memory_space<hbm>> -> memref<80x128xi32, #tpu.memory_space<hbm>>
      %dma_wait3A_64 = arith.constant 0 : i32
      %dma_wait3A_65 = arith.constant 0 : i32
      %dma_wait3A_66 = tpu.memref_slice %arg4[%add3A, %dma_wait3A_64, %dma_wait3A_65] : memref<32x80x128xi32, #tpu.memory_space<hbm>> -> memref<1x80x128xi32, #tpu.memory_space<hbm>>
      %dma_wait3A_67 = tpu.memref_squeeze %dma_wait3A_66 : memref<1x80x128xi32, #tpu.memory_space<hbm>> -> memref<80x128xi32, #tpu.memory_space<hbm>>
      tpu.wait_dma2 semaphore(%run_scoped3A : memref<!tpu.dma_semaphore, #tpu.memory_space<semaphore_mem>>) src(%dma_wait3A_67 : memref<80x128xi32, #tpu.memory_space<hbm>>) dst(%arg7 : memref<80x128xi32, #tpu.memory_space<vmem>>)
      tpu.yield
    }) : () -> ()
    %broadcast_in_dim3A = arith.constant 0.000000e+00 : f32
    %broadcast_in_dim3A_1 = vector.broadcast %broadcast_in_dim3A : f32 to vector<16xf32>
    %scan3A = arith.constant 0 : i32
    %scan3A_2 = arith.constant 0 : i32
    %scan3A_3 = arith.constant 128 : i32
    %scan3A_4 = arith.addi %scan3A_2, %scan3A_3 : i32
    %scan3A_5 = arith.constant 1 : i32
    scf.for %scan3A_54 = %scan3A_2 to %scan3A_4 step %scan3A_5  : i32 {
      %swap3A = arith.index_cast %scan3A_54 : i32 to index
      %swap3A_55 = arith.constant 0 : index
      %swap3A_56 = tpu.vector_load %arg8[%swap3A, %swap3A_55] {strides = array<i32>} : memref<128x128xf32, #tpu.memory_space<vmem>>, vector<1x16xf32>,
      %swap3A_57 = vector.shape_cast %swap3A_56 : vector<1x16xf32> to vector<16xf32>
      %swap3A_58 = vector.shape_cast %broadcast_in_dim3A_1 : vector<16xf32> to vector<1x16xf32>
      tpu.vector_store %arg8[%swap3A, %swap3A_55], %swap3A_58 {strides = array<i32>} : memref<128x128xf32, #tpu.memory_space<vmem>>, vector<1x16xf32>,
      %swap3A_59 = arith.index_cast %scan3A_54 : i32 to index
      %swap3A_60 = arith.constant 16 : index
      %swap3A_61 = tpu.vector_load %arg8[%swap3A_59, %swap3A_60] {strides = array<i32>} : memref<128x128xf32, #tpu.memory_space<vmem>>, vector<1x16xf32>,
      %swap3A_62 = vector.shape_cast %swap3A_61 : vector<1x16xf32> to vector<16xf32>
      %swap3A_63 = vector.shape_cast %broadcast_in_dim3A_1 : vector<16xf32> to vector<1x16xf32>
      tpu.vector_store %arg8[%swap3A_59, %swap3A_60], %swap3A_63 {strides = array<i32>} : memref<128x128xf32, #tpu.memory_space<vmem>>, vector<1x16xf32>,
      %swap3A_64 = arith.index_cast %scan3A_54 : i32 to index
      %swap3A_65 = arith.constant 32 : index
      %swap3A_66 = tpu.vector_load %arg8[%swap3A_64, %swap3A_65] {strides = array<i32>} : memref<128x128xf32, #tpu.memory_space<vmem>>, vector<1x16xf32>,
      %swap3A_67 = vector.shape_cast %swap3A_66 : vector<1x16xf32> to vector<16xf32>
      %swap3A_68 = vector.shape_cast %broadcast_in_dim3A_1 : vector<16xf32> to vector<1x16xf32>
      tpu.vector_store %arg8[%swap3A_64, %swap3A_65], %swap3A_68 {strides = array<i32>} : memref<128x128xf32, #tpu.memory_space<vmem>>, vector<1x16xf32>,
      %swap3A_69 = arith.index_cast %scan3A_54 : i32 to index
      %swap3A_70 = arith.constant 48 : index
      %swap3A_71 = tpu.vector_load %arg8[%swap3A_69, %swap3A_70] {strides = array<i32>} : memref<128x128xf32, #tpu.memory_space<vmem>>, vector<1x16xf32>,
      %swap3A_72 = vector.shape_cast %swap3A_71 : vector<1x16xf32> to vector<16xf32>
      %swap3A_73 = vector.shape_cast %broadcast_in_dim3A_1 : vector<16xf32> to vector<1x16xf32>
      tpu.vector_store %arg8[%swap3A_69, %swap3A_70], %swap3A_73 {strides = array<i32>} : memref<128x128xf32, #tpu.memory_space<vmem>>, vector<1x16xf32>,
      %swap3A_74 = arith.index_cast %scan3A_54 : i32 to index
      %swap3A_75 = arith.constant 64 : index
      %swap3A_76 = tpu.vector_load %arg8[%swap3A_74, %swap3A_75] {strides = array<i32>} : memref<128x128xf32, #tpu.memory_space<vmem>>, vector<1x16xf32>,
      %swap3A_77 = vector.shape_cast %swap3A_76 : vector<1x16xf32> to vector<16xf32>
      %swap3A_78 = vector.shape_cast %broadcast_in_dim3A_1 : vector<16xf32> to vector<1x16xf32>
      tpu.vector_store %arg8[%swap3A_74, %swap3A_75], %swap3A_78 {strides = array<i32>} : memref<128x128xf32, #tpu.memory_space<vmem>>, vector<1x16xf32>,
      %swap3A_79 = arith.index_cast %scan3A_54 : i32 to index
      %swap3A_80 = arith.constant 80 : index
      %swap3A_81 = tpu.vector_load %arg8[%swap3A_79, %swap3A_80] {strides = array<i32>} : memref<128x128xf32, #tpu.memory_space<vmem>>, vector<1x16xf32>,
      %swap3A_82 = vector.shape_cast %swap3A_81 : vector<1x16xf32> to vector<16xf32>
      %swap3A_83 = vector.shape_cast %broadcast_in_dim3A_1 : vector<16xf32> to vector<1x16xf32>
      tpu.vector_store %arg8[%swap3A_79, %swap3A_80], %swap3A_83 {strides = array<i32>} : memref<128x128xf32, #tpu.memory_space<vmem>>, vector<1x16xf32>,
      %swap3A_84 = arith.index_cast %scan3A_54 : i32 to index
      %swap3A_85 = arith.constant 96 : index
      %swap3A_86 = tpu.vector_load %arg8[%swap3A_84, %swap3A_85] {strides = array<i32>} : memref<128x128xf32, #tpu.memory_space<vmem>>, vector<1x16xf32>,
      %swap3A_87 = vector.shape_cast %swap3A_86 : vector<1x16xf32> to vector<16xf32>
      %swap3A_88 = vector.shape_cast %broadcast_in_dim3A_1 : vector<16xf32> to vector<1x16xf32>
      tpu.vector_store %arg8[%swap3A_84, %swap3A_85], %swap3A_88 {strides = array<i32>} : memref<128x128xf32, #tpu.memory_space<vmem>>, vector<1x16xf32>,
      %swap3A_89 = arith.index_cast %scan3A_54 : i32 to index
      %swap3A_90 = arith.constant 112 : index
      %swap3A_91 = tpu.vector_load %arg8[%swap3A_89, %swap3A_90] {strides = array<i32>} : memref<128x128xf32, #tpu.memory_space<vmem>>, vector<1x16xf32>,
      %swap3A_92 = vector.shape_cast %swap3A_91 : vector<1x16xf32> to vector<16xf32>
      %swap3A_93 = vector.shape_cast %broadcast_in_dim3A_1 : vector<16xf32> to vector<1x16xf32>
      tpu.vector_store %arg8[%swap3A_89, %swap3A_90], %swap3A_93 {strides = array<i32>} : memref<128x128xf32, #tpu.memory_space<vmem>>, vector<1x16xf32>,
    }
    %scan3A_6 = arith.constant 128 : i32
    %mul3A_7 = arith.constant 640 : i32
    %mul3A_8 = arith.muli %arg1, %mul3A_7 : i32
    %add3A_9 = arith.constant 0 : i32
    %add3A_10 = arith.addi %mul3A_8, %add3A_9 : i32
    "tpu.region"() ({
      %run_scoped3A = tpu.sem_alloc : memref<!tpu.dma_semaphore, #tpu.memory_space<semaphore_mem>>
      %dma_start3A = arith.constant 0 : i32
      %dma_start3A_54 = tpu.memref_slice %arg9[%add3A_10, %dma_start3A] : memref<10240x128xf32, #tpu.memory_space<vmem_shared>> -> memref<128x128xf32, #tpu.memory_space<vmem_shared>>
      %dma_start3A_55 = arith.constant 0 : i32
      %dma_start3A_56 = tpu.memref_slice %arg9[%add3A_10, %dma_start3A_55] : memref<10240x128xf32, #tpu.memory_space<vmem_shared>> -> memref<128x128xf32, #tpu.memory_space<vmem_shared>>
      tpu.enqueue_dma source(%arg8 : memref<128x128xf32, #tpu.memory_space<vmem>>) target(%dma_start3A_56 : memref<128x128xf32, #tpu.memory_space<vmem_shared>>) target_semaphore(%run_scoped3A : memref<!tpu.dma_semaphore, #tpu.memory_space<semaphore_mem>>)
      %dma_wait3A = arith.constant 0 : i32
      %dma_wait3A_57 = tpu.memref_slice %arg9[%add3A_10, %dma_wait3A] : memref<10240x128xf32, #tpu.memory_space<vmem_shared>> -> memref<128x128xf32, #tpu.memory_space<vmem_shared>>
      %dma_wait3A_58 = arith.constant 0 : i32
      %dma_wait3A_59 = tpu.memref_slice %arg9[%add3A_10, %dma_wait3A_58] : memref<10240x128xf32, #tpu.memory_space<vmem_shared>> -> memref<128x128xf32, #tpu.memory_space<vmem_shared>>
      tpu.wait_dma2 semaphore(%run_scoped3A : memref<!tpu.dma_semaphore, #tpu.memory_space<semaphore_mem>>) src(%arg8 : memref<128x128xf32, #tpu.memory_space<vmem>>) dst(%dma_wait3A_59 : memref<128x128xf32, #tpu.memory_space<vmem_shared>>)
      tpu.yield
    }) : () -> ()
    %mul3A_11 = arith.constant 640 : i32
    %mul3A_12 = arith.muli %arg1, %mul3A_11 : i32
    %add3A_13 = arith.constant 128 : i32
    %add3A_14 = arith.addi %mul3A_12, %add3A_13 : i32
    "tpu.region"() ({
      %run_scoped3A = tpu.sem_alloc : memref<!tpu.dma_semaphore, #tpu.memory_space<semaphore_mem>>
      %dma_start3A = arith.constant 0 : i32
      %dma_start3A_54 = tpu.memref_slice %arg9[%add3A_14, %dma_start3A] : memref<10240x128xf32, #tpu.memory_space<vmem_shared>> -> memref<128x128xf32, #tpu.memory_space<vmem_shared>>
      %dma_start3A_55 = arith.constant 0 : i32
      %dma_start3A_56 = tpu.memref_slice %arg9[%add3A_14, %dma_start3A_55] : memref<10240x128xf32, #tpu.memory_space<vmem_shared>> -> memref<128x128xf32, #tpu.memory_space<vmem_shared>>
      tpu.enqueue_dma source(%arg8 : memref<128x128xf32, #tpu.memory_space<vmem>>) target(%dma_start3A_56 : memref<128x128xf32, #tpu.memory_space<vmem_shared>>) target_semaphore(%run_scoped3A : memref<!tpu.dma_semaphore, #tpu.memory_space<semaphore_mem>>)
      %dma_wait3A = arith.constant 0 : i32
      %dma_wait3A_57 = tpu.memref_slice %arg9[%add3A_14, %dma_wait3A] : memref<10240x128xf32, #tpu.memory_space<vmem_shared>> -> memref<128x128xf32, #tpu.memory_space<vmem_shared>>
      %dma_wait3A_58 = arith.constant 0 : i32
      %dma_wait3A_59 = tpu.memref_slice %arg9[%add3A_14, %dma_wait3A_58] : memref<10240x128xf32, #tpu.memory_space<vmem_shared>> -> memref<128x128xf32, #tpu.memory_space<vmem_shared>>
      tpu.wait_dma2 semaphore(%run_scoped3A : memref<!tpu.dma_semaphore, #tpu.memory_space<semaphore_mem>>) src(%arg8 : memref<128x128xf32, #tpu.memory_space<vmem>>) dst(%dma_wait3A_59 : memref<128x128xf32, #tpu.memory_space<vmem_shared>>)
      tpu.yield
    }) : () -> ()
    %mul3A_15 = arith.constant 640 : i32
    %mul3A_16 = arith.muli %arg1, %mul3A_15 : i32
    %add3A_17 = arith.constant 256 : i32
    %add3A_18 = arith.addi %mul3A_16, %add3A_17 : i32
    "tpu.region"() ({
      %run_scoped3A = tpu.sem_alloc : memref<!tpu.dma_semaphore, #tpu.memory_space<semaphore_mem>>
      %dma_start3A = arith.constant 0 : i32
      %dma_start3A_54 = tpu.memref_slice %arg9[%add3A_18, %dma_start3A] : memref<10240x128xf32, #tpu.memory_space<vmem_shared>> -> memref<128x128xf32, #tpu.memory_space<vmem_shared>>
      %dma_start3A_55 = arith.constant 0 : i32
      %dma_start3A_56 = tpu.memref_slice %arg9[%add3A_18, %dma_start3A_55] : memref<10240x128xf32, #tpu.memory_space<vmem_shared>> -> memref<128x128xf32, #tpu.memory_space<vmem_shared>>
      tpu.enqueue_dma source(%arg8 : memref<128x128xf32, #tpu.memory_space<vmem>>) target(%dma_start3A_56 : memref<128x128xf32, #tpu.memory_space<vmem_shared>>) target_semaphore(%run_scoped3A : memref<!tpu.dma_semaphore, #tpu.memory_space<semaphore_mem>>)
      %dma_wait3A = arith.constant 0 : i32
      %dma_wait3A_57 = tpu.memref_slice %arg9[%add3A_18, %dma_wait3A] : memref<10240x128xf32, #tpu.memory_space<vmem_shared>> -> memref<128x128xf32, #tpu.memory_space<vmem_shared>>
      %dma_wait3A_58 = arith.constant 0 : i32
      %dma_wait3A_59 = tpu.memref_slice %arg9[%add3A_18, %dma_wait3A_58] : memref<10240x128xf32, #tpu.memory_space<vmem_shared>> -> memref<128x128xf32, #tpu.memory_space<vmem_shared>>
      tpu.wait_dma2 semaphore(%run_scoped3A : memref<!tpu.dma_semaphore, #tpu.memory_space<semaphore_mem>>) src(%arg8 : memref<128x128xf32, #tpu.memory_space<vmem>>) dst(%dma_wait3A_59 : memref<128x128xf32, #tpu.memory_space<vmem_shared>>)
      tpu.yield
    }) : () -> ()
    %mul3A_19 = arith.constant 640 : i32
    %mul3A_20 = arith.muli %arg1, %mul3A_19 : i32
    %add3A_21 = arith.constant 384 : i32
    %add3A_22 = arith.addi %mul3A_20, %add3A_21 : i32
    "tpu.region"() ({
      %run_scoped3A = tpu.sem_alloc : memref<!tpu.dma_semaphore, #tpu.memory_space<semaphore_mem>>
      %dma_start3A = arith.constant 0 : i32
      %dma_start3A_54 = tpu.memref_slice %arg9[%add3A_22, %dma_start3A] : memref<10240x128xf32, #tpu.memory_space<vmem_shared>> -> memref<128x128xf32, #tpu.memory_space<vmem_shared>>
      %dma_start3A_55 = arith.constant 0 : i32
      %dma_start3A_56 = tpu.memref_slice %arg9[%add3A_22, %dma_start3A_55] : memref<10240x128xf32, #tpu.memory_space<vmem_shared>> -> memref<128x128xf32, #tpu.memory_space<vmem_shared>>
      tpu.enqueue_dma source(%arg8 : memref<128x128xf32, #tpu.memory_space<vmem>>) target(%dma_start3A_56 : memref<128x128xf32, #tpu.memory_space<vmem_shared>>) target_semaphore(%run_scoped3A : memref<!tpu.dma_semaphore, #tpu.memory_space<semaphore_mem>>)
      %dma_wait3A = arith.constant 0 : i32
      %dma_wait3A_57 = tpu.memref_slice %arg9[%add3A_22, %dma_wait3A] : memref<10240x128xf32, #tpu.memory_space<vmem_shared>> -> memref<128x128xf32, #tpu.memory_space<vmem_shared>>
      %dma_wait3A_58 = arith.constant 0 : i32
      %dma_wait3A_59 = tpu.memref_slice %arg9[%add3A_22, %dma_wait3A_58] : memref<10240x128xf32, #tpu.memory_space<vmem_shared>> -> memref<128x128xf32, #tpu.memory_space<vmem_shared>>
      tpu.wait_dma2 semaphore(%run_scoped3A : memref<!tpu.dma_semaphore, #tpu.memory_space<semaphore_mem>>) src(%arg8 : memref<128x128xf32, #tpu.memory_space<vmem>>) dst(%dma_wait3A_59 : memref<128x128xf32, #tpu.memory_space<vmem_shared>>)
      tpu.yield
    }) : () -> ()
    %mul3A_23 = arith.constant 640 : i32
    %mul3A_24 = arith.muli %arg1, %mul3A_23 : i32
    %add3A_25 = arith.constant 512 : i32
    %add3A_26 = arith.addi %mul3A_24, %add3A_25 : i32
    "tpu.region"() ({
      %run_scoped3A = tpu.sem_alloc : memref<!tpu.dma_semaphore, #tpu.memory_space<semaphore_mem>>
      %dma_start3A = arith.constant 0 : i32
      %dma_start3A_54 = tpu.memref_slice %arg9[%add3A_26, %dma_start3A] : memref<10240x128xf32, #tpu.memory_space<vmem_shared>> -> memref<128x128xf32, #tpu.memory_space<vmem_shared>>
      %dma_start3A_55 = arith.constant 0 : i32
      %dma_start3A_56 = tpu.memref_slice %arg9[%add3A_26, %dma_start3A_55] : memref<10240x128xf32, #tpu.memory_space<vmem_shared>> -> memref<128x128xf32, #tpu.memory_space<vmem_shared>>
      tpu.enqueue_dma source(%arg8 : memref<128x128xf32, #tpu.memory_space<vmem>>) target(%dma_start3A_56 : memref<128x128xf32, #tpu.memory_space<vmem_shared>>) target_semaphore(%run_scoped3A : memref<!tpu.dma_semaphore, #tpu.memory_space<semaphore_mem>>)
      %dma_wait3A = arith.constant 0 : i32
      %dma_wait3A_57 = tpu.memref_slice %arg9[%add3A_26, %dma_wait3A] : memref<10240x128xf32, #tpu.memory_space<vmem_shared>> -> memref<128x128xf32, #tpu.memory_space<vmem_shared>>
      %dma_wait3A_58 = arith.constant 0 : i32
      %dma_wait3A_59 = tpu.memref_slice %arg9[%add3A_26, %dma_wait3A_58] : memref<10240x128xf32, #tpu.memory_space<vmem_shared>> -> memref<128x128xf32, #tpu.memory_space<vmem_shared>>
      tpu.wait_dma2 semaphore(%run_scoped3A : memref<!tpu.dma_semaphore, #tpu.memory_space<semaphore_mem>>) src(%arg8 : memref<128x128xf32, #tpu.memory_space<vmem>>) dst(%dma_wait3A_59 : memref<128x128xf32, #tpu.memory_space<vmem_shared>>)
      tpu.yield
    }) : () -> ()
    %barrier3A = arith.constant 0 : index
    tpu.barrier barrier_id(%barrier3A)
    %scan3A_27 = arith.constant 0 : i32
    %scan3A_28 = arith.constant 0 : i32
    %scan3A_29 = arith.constant 80 : i32
    %scan3A_30 = arith.addi %scan3A_28, %scan3A_29 : i32
    %scan3A_31 = arith.constant 1 : i32
    scf.for %scan3A_54 = %scan3A_28 to %scan3A_30 step %scan3A_31  : i32 {
      %dma_start3A = arith.constant 0 : i32
      %dma_start3A_55 = tpu.memref_slice %arg6[%scan3A_54, %dma_start3A] : memref<80x128xi32, #tpu.memory_space<vmem>> -> memref<1x128xi32, #tpu.memory_space<vmem>>
      %dma_start3A_56 = tpu.memref_squeeze %dma_start3A_55 : memref<1x128xi32, #tpu.memory_space<vmem>> -> memref<128xi32, #tpu.memory_space<vmem>>
      %dma_start3A_57 = arith.constant 0 : i32
      %dma_start3A_58 = arith.constant 0 : i32
      %dma_start3A_59 = tpu.memref_slice %arg2[%dma_start3A_57, %dma_start3A_58] : memref<10240x128xf32, #tpu.memory_space<hbm>> -> memref<10240x128xf32, #tpu.memory_space<hbm>>
      tpu.enqueue_indirect_dma source(%dma_start3A_59 : memref<10240x128xf32, #tpu.memory_space<hbm>>) target(%arg8 : memref<128x128xf32, #tpu.memory_space<vmem>>) offsets(%dma_start3A_56 : memref<128xi32, #tpu.memory_space<vmem>>) semaphore(%arg10 : memref<!tpu.dma_semaphore, #tpu.memory_space<semaphore_mem>>)
      %dma_wait3A = arith.constant 0 : i32
      %dma_wait3A_60 = tpu.memref_slice %arg6[%scan3A_54, %dma_wait3A] : memref<80x128xi32, #tpu.memory_space<vmem>> -> memref<1x128xi32, #tpu.memory_space<vmem>>
      %dma_wait3A_61 = tpu.memref_squeeze %dma_wait3A_60 : memref<1x128xi32, #tpu.memory_space<vmem>> -> memref<128xi32, #tpu.memory_space<vmem>>
      %dma_wait3A_62 = arith.constant 0 : i32
      %dma_wait3A_63 = arith.constant 0 : i32
      %dma_wait3A_64 = tpu.memref_slice %arg2[%dma_wait3A_62, %dma_wait3A_63] : memref<10240x128xf32, #tpu.memory_space<hbm>> -> memref<10240x128xf32, #tpu.memory_space<hbm>>
      tpu.wait_indirect_dma semaphore(%arg10 : memref<!tpu.dma_semaphore, #tpu.memory_space<semaphore_mem>>) src(%dma_wait3A_64 : memref<10240x128xf32, #tpu.memory_space<hbm>>) dst(%arg8 : memref<128x128xf32, #tpu.memory_space<vmem>>)
      "tpu.region"() ({
        %run_scoped3A = tpu.sem_alloc : memref<!tpu.dma_semaphore, #tpu.memory_space<semaphore_mem>>
        %dma_start3A_65 = arith.constant 0 : i32
        %dma_start3A_66 = tpu.memref_slice %arg7[%scan3A_54, %dma_start3A_65] : memref<80x128xi32, #tpu.memory_space<vmem>> -> memref<1x128xi32, #tpu.memory_space<vmem>>
        %dma_start3A_67 = tpu.memref_squeeze %dma_start3A_66 : memref<1x128xi32, #tpu.memory_space<vmem>> -> memref<128xi32, #tpu.memory_space<vmem>>
        %dma_start3A_68 = arith.constant 0 : i32
        %dma_start3A_69 = arith.constant 0 : i32
        %dma_start3A_70 = tpu.memref_slice %arg9[%dma_start3A_68, %dma_start3A_69] : memref<10240x128xf32, #tpu.memory_space<vmem_shared>> -> memref<10240x128xf32, #tpu.memory_space<vmem_shared>>
        tpu.enqueue_indirect_dma source(%arg8 : memref<128x128xf32, #tpu.memory_space<vmem>>) target(%dma_start3A_70 : memref<10240x128xf32, #tpu.memory_space<vmem_shared>>) offsets(%dma_start3A_67 : memref<128xi32, #tpu.memory_space<vmem>>) semaphore(%run_scoped3A : memref<!tpu.dma_semaphore, #tpu.memory_space<semaphore_mem>>) {add = true}
        %dma_wait3A_71 = arith.constant 0 : i32
        %dma_wait3A_72 = tpu.memref_slice %arg7[%scan3A_54, %dma_wait3A_71] : memref<80x128xi32, #tpu.memory_space<vmem>> -> memref<1x128xi32, #tpu.memory_space<vmem>>
        %dma_wait3A_73 = tpu.memref_squeeze %dma_wait3A_72 : memref<1x128xi32, #tpu.memory_space<vmem>> -> memref<128xi32, #tpu.memory_space<vmem>>
        %dma_wait3A_74 = arith.constant 0 : i32
        %dma_wait3A_75 = arith.constant 0 : i32
        %dma_wait3A_76 = tpu.memref_slice %arg9[%dma_wait3A_74, %dma_wait3A_75] : memref<10240x128xf32, #tpu.memory_space<vmem_shared>> -> memref<10240x128xf32, #tpu.memory_space<vmem_shared>>
        tpu.wait_indirect_dma semaphore(%run_scoped3A : memref<!tpu.dma_semaphore, #tpu.memory_space<semaphore_mem>>) src(%arg8 : memref<128x128xf32, #tpu.memory_space<vmem>>) dst(%dma_wait3A_76 : memref<10240x128xf32, #tpu.memory_space<vmem_shared>>)
        tpu.yield
      }) : () -> ()
    }
    %scan3A_32 = arith.constant 80 : i32
    %barrier3A_33 = arith.constant 0 : index
    tpu.barrier barrier_id(%barrier3A_33)
    %mul3A_34 = arith.constant 640 : i32
    %mul3A_35 = arith.muli %arg1, %mul3A_34 : i32
    %add3A_36 = arith.constant 0 : i32
    %add3A_37 = arith.addi %mul3A_35, %add3A_36 : i32
    "tpu.region"() ({
      %run_scoped3A = tpu.sem_alloc : memref<!tpu.dma_semaphore, #tpu.memory_space<semaphore_mem>>
      %dma_start3A = arith.constant 0 : i32
      %dma_start3A_54 = tpu.memref_slice %arg5[%arg0, %add3A_37, %dma_start3A] : memref<2x10240x128xf32, #tpu.memory_space<hbm>> -> memref<1x128x128xf32, #tpu.memory_space<hbm>>
      %dma_start3A_55 = tpu.memref_squeeze %dma_start3A_54 : memref<1x128x128xf32, #tpu.memory_space<hbm>> -> memref<128x128xf32, #tpu.memory_space<hbm>>
      %dma_start3A_56 = arith.constant 0 : i32
      %dma_start3A_57 = tpu.memref_slice %arg9[%add3A_37, %dma_start3A_56] : memref<10240x128xf32, #tpu.memory_space<vmem_shared>> -> memref<128x128xf32, #tpu.memory_space<vmem_shared>>
      tpu.enqueue_dma source(%dma_start3A_57 : memref<128x128xf32, #tpu.memory_space<vmem_shared>>) target(%dma_start3A_55 : memref<128x128xf32, #tpu.memory_space<hbm>>) target_semaphore(%run_scoped3A : memref<!tpu.dma_semaphore, #tpu.memory_space<semaphore_mem>>)
      %dma_wait3A = arith.constant 0 : i32
      %dma_wait3A_58 = tpu.memref_slice %arg5[%arg0, %add3A_37, %dma_wait3A] : memref<2x10240x128xf32, #tpu.memory_space<hbm>> -> memref<1x128x128xf32, #tpu.memory_space<hbm>>
      %dma_wait3A_59 = tpu.memref_squeeze %dma_wait3A_58 : memref<1x128x128xf32, #tpu.memory_space<hbm>> -> memref<128x128xf32, #tpu.memory_space<hbm>>
      %dma_wait3A_60 = arith.constant 0 : i32
      %dma_wait3A_61 = tpu.memref_slice %arg9[%add3A_37, %dma_wait3A_60] : memref<10240x128xf32, #tpu.memory_space<vmem_shared>> -> memref<128x128xf32, #tpu.memory_space<vmem_shared>>
      tpu.wait_dma2 semaphore(%run_scoped3A : memref<!tpu.dma_semaphore, #tpu.memory_space<semaphore_mem>>) src(%dma_wait3A_61 : memref<128x128xf32, #tpu.memory_space<vmem_shared>>) dst(%dma_wait3A_59 : memref<128x128xf32, #tpu.memory_space<hbm>>)
      tpu.yield
    }) : () -> ()
    %mul3A_38 = arith.constant 640 : i32
    %mul3A_39 = arith.muli %arg1, %mul3A_38 : i32
    %add3A_40 = arith.constant 128 : i32
    %add3A_41 = arith.addi %mul3A_39, %add3A_40 : i32
    "tpu.region"() ({
      %run_scoped3A = tpu.sem_alloc : memref<!tpu.dma_semaphore, #tpu.memory_space<semaphore_mem>>
      %dma_start3A = arith.constant 0 : i32
      %dma_start3A_54 = tpu.memref_slice %arg5[%arg0, %add3A_41, %dma_start3A] : memref<2x10240x128xf32, #tpu.memory_space<hbm>> -> memref<1x128x128xf32, #tpu.memory_space<hbm>>
      %dma_start3A_55 = tpu.memref_squeeze %dma_start3A_54 : memref<1x128x128xf32, #tpu.memory_space<hbm>> -> memref<128x128xf32, #tpu.memory_space<hbm>>
      %dma_start3A_56 = arith.constant 0 : i32
      %dma_start3A_57 = tpu.memref_slice %arg9[%add3A_41, %dma_start3A_56] : memref<10240x128xf32, #tpu.memory_space<vmem_shared>> -> memref<128x128xf32, #tpu.memory_space<vmem_shared>>
      tpu.enqueue_dma source(%dma_start3A_57 : memref<128x128xf32, #tpu.memory_space<vmem_shared>>) target(%dma_start3A_55 : memref<128x128xf32, #tpu.memory_space<hbm>>) target_semaphore(%run_scoped3A : memref<!tpu.dma_semaphore, #tpu.memory_space<semaphore_mem>>)
      %dma_wait3A = arith.constant 0 : i32
      %dma_wait3A_58 = tpu.memref_slice %arg5[%arg0, %add3A_41, %dma_wait3A] : memref<2x10240x128xf32, #tpu.memory_space<hbm>> -> memref<1x128x128xf32, #tpu.memory_space<hbm>>
      %dma_wait3A_59 = tpu.memref_squeeze %dma_wait3A_58 : memref<1x128x128xf32, #tpu.memory_space<hbm>> -> memref<128x128xf32, #tpu.memory_space<hbm>>
      %dma_wait3A_60 = arith.constant 0 : i32
      %dma_wait3A_61 = tpu.memref_slice %arg9[%add3A_41, %dma_wait3A_60] : memref<10240x128xf32, #tpu.memory_space<vmem_shared>> -> memref<128x128xf32, #tpu.memory_space<vmem_shared>>
      tpu.wait_dma2 semaphore(%run_scoped3A : memref<!tpu.dma_semaphore, #tpu.memory_space<semaphore_mem>>) src(%dma_wait3A_61 : memref<128x128xf32, #tpu.memory_space<vmem_shared>>) dst(%dma_wait3A_59 : memref<128x128xf32, #tpu.memory_space<hbm>>)
      tpu.yield
    }) : () -> ()
    %mul3A_42 = arith.constant 640 : i32
    %mul3A_43 = arith.muli %arg1, %mul3A_42 : i32
    %add3A_44 = arith.constant 256 : i32
    %add3A_45 = arith.addi %mul3A_43, %add3A_44 : i32
    "tpu.region"() ({
      %run_scoped3A = tpu.sem_alloc : memref<!tpu.dma_semaphore, #tpu.memory_space<semaphore_mem>>
      %dma_start3A = arith.constant 0 : i32
      %dma_start3A_54 = tpu.memref_slice %arg5[%arg0, %add3A_45, %dma_start3A] : memref<2x10240x128xf32, #tpu.memory_space<hbm>> -> memref<1x128x128xf32, #tpu.memory_space<hbm>>
      %dma_start3A_55 = tpu.memref_squeeze %dma_start3A_54 : memref<1x128x128xf32, #tpu.memory_space<hbm>> -> memref<128x128xf32, #tpu.memory_space<hbm>>
      %dma_start3A_56 = arith.constant 0 : i32
      %dma_start3A_57 = tpu.memref_slice %arg9[%add3A_45, %dma_start3A_56] : memref<10240x128xf32, #tpu.memory_space<vmem_shared>> -> memref<128x128xf32, #tpu.memory_space<vmem_shared>>
      tpu.enqueue_dma source(%dma_start3A_57 : memref<128x128xf32, #tpu.memory_space<vmem_shared>>) target(%dma_start3A_55 : memref<128x128xf32, #tpu.memory_space<hbm>>) target_semaphore(%run_scoped3A : memref<!tpu.dma_semaphore, #tpu.memory_space<semaphore_mem>>)
      %dma_wait3A = arith.constant 0 : i32
      %dma_wait3A_58 = tpu.memref_slice %arg5[%arg0, %add3A_45, %dma_wait3A] : memref<2x10240x128xf32, #tpu.memory_space<hbm>> -> memref<1x128x128xf32, #tpu.memory_space<hbm>>
      %dma_wait3A_59 = tpu.memref_squeeze %dma_wait3A_58 : memref<1x128x128xf32, #tpu.memory_space<hbm>> -> memref<128x128xf32, #tpu.memory_space<hbm>>
      %dma_wait3A_60 = arith.constant 0 : i32
      %dma_wait3A_61 = tpu.memref_slice %arg9[%add3A_45, %dma_wait3A_60] : memref<10240x128xf32, #tpu.memory_space<vmem_shared>> -> memref<128x128xf32, #tpu.memory_space<vmem_shared>>
      tpu.wait_dma2 semaphore(%run_scoped3A : memref<!tpu.dma_semaphore, #tpu.memory_space<semaphore_mem>>) src(%dma_wait3A_61 : memref<128x128xf32, #tpu.memory_space<vmem_shared>>) dst(%dma_wait3A_59 : memref<128x128xf32, #tpu.memory_space<hbm>>)
      tpu.yield
    }) : () -> ()
    %mul3A_46 = arith.constant 640 : i32
    %mul3A_47 = arith.muli %arg1, %mul3A_46 : i32
    %add3A_48 = arith.constant 384 : i32
    %add3A_49 = arith.addi %mul3A_47, %add3A_48 : i32
    "tpu.region"() ({
      %run_scoped3A = tpu.sem_alloc : memref<!tpu.dma_semaphore, #tpu.memory_space<semaphore_mem>>
      %dma_start3A = arith.constant 0 : i32
      %dma_start3A_54 = tpu.memref_slice %arg5[%arg0, %add3A_49, %dma_start3A] : memref<2x10240x128xf32, #tpu.memory_space<hbm>> -> memref<1x128x128xf32, #tpu.memory_space<hbm>>
      %dma_start3A_55 = tpu.memref_squeeze %dma_start3A_54 : memref<1x128x128xf32, #tpu.memory_space<hbm>> -> memref<128x128xf32, #tpu.memory_space<hbm>>
      %dma_start3A_56 = arith.constant 0 : i32
      %dma_start3A_57 = tpu.memref_slice %arg9[%add3A_49, %dma_start3A_56] : memref<10240x128xf32, #tpu.memory_space<vmem_shared>> -> memref<128x128xf32, #tpu.memory_space<vmem_shared>>
      tpu.enqueue_dma source(%dma_start3A_57 : memref<128x128xf32, #tpu.memory_space<vmem_shared>>) target(%dma_start3A_55 : memref<128x128xf32, #tpu.memory_space<hbm>>) target_semaphore(%run_scoped3A : memref<!tpu.dma_semaphore, #tpu.memory_space<semaphore_mem>>)
      %dma_wait3A = arith.constant 0 : i32
      %dma_wait3A_58 = tpu.memref_slice %arg5[%arg0, %add3A_49, %dma_wait3A] : memref<2x10240x128xf32, #tpu.memory_space<hbm>> -> memref<1x128x128xf32, #tpu.memory_space<hbm>>
      %dma_wait3A_59 = tpu.memref_squeeze %dma_wait3A_58 : memref<1x128x128xf32, #tpu.memory_space<hbm>> -> memref<128x128xf32, #tpu.memory_space<hbm>>
      %dma_wait3A_60 = arith.constant 0 : i32
      %dma_wait3A_61 = tpu.memref_slice %arg9[%add3A_49, %dma_wait3A_60] : memref<10240x128xf32, #tpu.memory_space<vmem_shared>> -> memref<128x128xf32, #tpu.memory_space<vmem_shared>>
      tpu.wait_dma2 semaphore(%run_scoped3A : memref<!tpu.dma_semaphore, #tpu.memory_space<semaphore_mem>>) src(%dma_wait3A_61 : memref<128x128xf32, #tpu.memory_space<vmem_shared>>) dst(%dma_wait3A_59 : memref<128x128xf32, #tpu.memory_space<hbm>>)
      tpu.yield
    }) : () -> ()
    %mul3A_50 = arith.constant 640 : i32
    %mul3A_51 = arith.muli %arg1, %mul3A_50 : i32
    %add3A_52 = arith.constant 512 : i32
    %add3A_53 = arith.addi %mul3A_51, %add3A_52 : i32
    "tpu.region"() ({
      %run_scoped3A = tpu.sem_alloc : memref<!tpu.dma_semaphore, #tpu.memory_space<semaphore_mem>>
      %dma_start3A = arith.constant 0 : i32
      %dma_start3A_54 = tpu.memref_slice %arg5[%arg0, %add3A_53, %dma_start3A] : memref<2x10240x128xf32, #tpu.memory_space<hbm>> -> memref<1x128x128xf32, #tpu.memory_space<hbm>>
      %dma_start3A_55 = tpu.memref_squeeze %dma_start3A_54 : memref<1x128x128xf32, #tpu.memory_space<hbm>> -> memref<128x128xf32, #tpu.memory_space<hbm>>
      %dma_start3A_56 = arith.constant 0 : i32
      %dma_start3A_57 = tpu.memref_slice %arg9[%add3A_53, %dma_start3A_56] : memref<10240x128xf32, #tpu.memory_space<vmem_shared>> -> memref<128x128xf32, #tpu.memory_space<vmem_shared>>
      tpu.enqueue_dma source(%dma_start3A_57 : memref<128x128xf32, #tpu.memory_space<vmem_shared>>) target(%dma_start3A_55 : memref<128x128xf32, #tpu.memory_space<hbm>>) target_semaphore(%run_scoped3A : memref<!tpu.dma_semaphore, #tpu.memory_space<semaphore_mem>>)
      %dma_wait3A = arith.constant 0 : i32
      %dma_wait3A_58 = tpu.memref_slice %arg5[%arg0, %add3A_53, %dma_wait3A] : memref<2x10240x128xf32, #tpu.memory_space<hbm>> -> memref<1x128x128xf32, #tpu.memory_space<hbm>>
      %dma_wait3A_59 = tpu.memref_squeeze %dma_wait3A_58 : memref<1x128x128xf32, #tpu.memory_space<hbm>> -> memref<128x128xf32, #tpu.memory_space<hbm>>
      %dma_wait3A_60 = arith.constant 0 : i32
      %dma_wait3A_61 = tpu.memref_slice %arg9[%add3A_53, %dma_wait3A_60] : memref<10240x128xf32, #tpu.memory_space<vmem_shared>> -> memref<128x128xf32, #tpu.memory_space<vmem_shared>>
      tpu.wait_dma2 semaphore(%run_scoped3A : memref<!tpu.dma_semaphore, #tpu.memory_space<semaphore_mem>>) src(%dma_wait3A_61 : memref<128x128xf32, #tpu.memory_space<vmem_shared>>) dst(%dma_wait3A_59 : memref<128x128xf32, #tpu.memory_space<hbm>>)
      tpu.yield
    }) : () -> ()
    return
  }
}

module attributes {stable_mosaic.version = 14 : i64} {
  func.func @_dis_body(%arg0: memref<32x10240xf32, #tpu.memory_space<vmem>>, %arg1: memref<1x10240xf32, #tpu.memory_space<vmem>>) attributes {dimension_semantics = [], scalar_prefetch = 0 : i64, scratch_operands = 0 : i64, tpu.core_type = #tpu.core_type<tc>} {
    %get3A = arith.constant 0 : index
    %get3A_0 = arith.constant 0 : index
    %get3A_1 = vector.load %arg0[%get3A, %get3A_0] : memref<32x10240xf32, #tpu.memory_space<vmem>>, vector<32x10240xf32>
    %reduce_sum3A = arith.constant dense<0.000000e+00> : vector<10240xf32>
    %reduce_sum3A_2 = vector.multi_reduction <add>, %get3A_1, %reduce_sum3A [0] : vector<32x10240xf32> to vector<10240xf32>
    %reshape3A = vector.shape_cast %reduce_sum3A_2 : vector<10240xf32> to vector<1x10240xf32>
    %add3A = arith.constant 1.000000e+00 : f32
    %add3A_3 = vector.broadcast %add3A : f32 to vector<1x10240xf32>
    %add3A_4 = arith.addf %reshape3A, %add3A_3 : vector<1x10240xf32>
    %rsqrt3A = math.rsqrt %add3A_4 : vector<1x10240xf32>
    %swap3A = arith.constant 0 : index
    %swap3A_5 = arith.constant 0 : index
    %swap3A_6 = vector.load %arg1[%swap3A, %swap3A_5] : memref<1x10240xf32, #tpu.memory_space<vmem>>, vector<1x10240xf32>
    tpu.vector_store %arg1[%swap3A, %swap3A_5], %rsqrt3A {strides = array<i32>} : memref<1x10240xf32, #tpu.memory_space<vmem>>, vector<1x10240xf32>,
    return
  }
}

module attributes {stable_mosaic.version = 14 : i64} {
  func.func @_mm1_body(%arg0: i32, %arg1: memref<512x128xf32, #tpu.memory_space<vmem>>, %arg2: memref<128x128xf32, #tpu.memory_space<vmem>>, %arg3: memref<1x10240xf32, #tpu.memory_space<vmem>>, %arg4: memref<512x128xf32, #tpu.memory_space<vmem>>) attributes {dimension_semantics = [#tpu.dimension_semantics<arbitrary>], iteration_bounds = array<i64: 20>, scalar_prefetch = 0 : i64, scratch_operands = 0 : i64, tpu.core_type = #tpu.core_type<tc>, window_params = [{transform_indices = @transform_0, window_bounds = array<i64: 512, 128>}, {pipeline_mode = #tpu.pipeline_mode<synchronous>, transform_indices = @transform_1, window_bounds = array<i64: 128, 128>}, {pipeline_mode = #tpu.pipeline_mode<synchronous>, transform_indices = @transform_2, window_bounds = array<i64: 1, 10240>}, {transform_indices = @transform_3, window_bounds = array<i64: 512, 128>}]} {
    %get3A = arith.constant 0 : index
    %get3A_0 = arith.constant 0 : index
    %get3A_1 = vector.load %arg1[%get3A, %get3A_0] : memref<512x128xf32, #tpu.memory_space<vmem>>, vector<512x128xf32>
    %get3A_2 = arith.constant 0 : index
    %get3A_3 = arith.constant 0 : index
    %get3A_4 = vector.load %arg2[%get3A_2, %get3A_3] : memref<128x128xf32, #tpu.memory_space<vmem>>, vector<128x128xf32>
    %dot_general3A = arith.constant dense<0.000000e+00> : vector<512x128xf32>
    %dot_general3A_5 = tpu.matmul %get3A_1, %get3A_4, %dot_general3A {dimension_numbers = #tpu.dot_dimension_numbers<[1], [0], [0], [1], [0, 0, 1, 1], [], []>, transpose_lhs_hint = false} : vector<512x128xf32>, vector<128x128xf32>, vector<512x128xf32> -> vector<512x128xf32>
    %mul3A = arith.constant 512 : i32
    %mul3A_6 = arith.muli %arg0, %mul3A : i32
    %get3A_7 = arith.constant 0 : index
    %get3A_8 = arith.index_cast %mul3A_6 : i32 to index
    %get3A_9 = vector.load %arg3[%get3A_7, %get3A_8] : memref<1x10240xf32, #tpu.memory_space<vmem>>, vector<1x512xf32>
    %get3A_10 = vector.shape_cast %get3A_9 : vector<1x512xf32> to vector<512xf32>
    %broadcast_in_dim3A = vector.shape_cast %get3A_10 : vector<512xf32> to vector<512x1xf32>
    %mul3A_11 = vector.broadcast %broadcast_in_dim3A : vector<512x1xf32> to vector<512x128xf32>
    %mul3A_12 = arith.mulf %dot_general3A_5, %mul3A_11 : vector<512x128xf32>
    %swap3A = arith.constant 0 : index
    %swap3A_13 = arith.constant 0 : index
    %swap3A_14 = vector.load %arg4[%swap3A, %swap3A_13] : memref<512x128xf32, #tpu.memory_space<vmem>>, vector<512x128xf32>
    tpu.vector_store %arg4[%swap3A, %swap3A_13], %mul3A_12 {strides = array<i32>} : memref<512x128xf32, #tpu.memory_space<vmem>>, vector<512x128xf32>,
    return
  }
  func.func @transform_0(%arg0: i32) -> (i32, i32) {
    %c0_i32 = arith.constant 0 : i32
    %c0_i32_0 = arith.constant 0 : i32
    return %arg0, %c0_i32 : i32, i32
  }
  func.func @transform_1(%arg0: i32) -> (i32, i32) {
    %c0_i32 = arith.constant 0 : i32
    %c0_i32_0 = arith.constant 0 : i32
    %c0_i32_1 = arith.constant 0 : i32
    return %c0_i32, %c0_i32_0 : i32, i32
  }
  func.func @transform_2(%arg0: i32) -> (i32, i32) {
    %c0_i32 = arith.constant 0 : i32
    %c0_i32_0 = arith.constant 0 : i32
    %c0_i32_1 = arith.constant 0 : i32
    return %c0_i32, %c0_i32_0 : i32, i32
  }
  func.func @transform_3(%arg0: i32) -> (i32, i32) {
    %c0_i32 = arith.constant 0 : i32
    %c0_i32_0 = arith.constant 0 : i32
    return %arg0, %c0_i32 : i32, i32
  }
}

module attributes {stable_mosaic.version = 14 : i64} {
  func.func @_mid_body(%arg0: i32, %arg1: memref<2x512x128xf32, #tpu.memory_space<vmem>>, %arg2: memref<512x128xf32, #tpu.memory_space<vmem>>, %arg3: memref<1x10240xf32, #tpu.memory_space<vmem>>, %arg4: memref<1x128xf32, #tpu.memory_space<vmem>>, %arg5: memref<512x128xf32, #tpu.memory_space<vmem>>) attributes {dimension_semantics = [#tpu.dimension_semantics<arbitrary>], iteration_bounds = array<i64: 20>, scalar_prefetch = 0 : i64, scratch_operands = 0 : i64, tpu.core_type = #tpu.core_type<tc>, window_params = [{transform_indices = @transform_0, window_bounds = array<i64: 2, 512, 128>}, {transform_indices = @transform_1, window_bounds = array<i64: 512, 128>}, {pipeline_mode = #tpu.pipeline_mode<synchronous>, transform_indices = @transform_2, window_bounds = array<i64: 1, 10240>}, {pipeline_mode = #tpu.pipeline_mode<synchronous>, transform_indices = @transform_3, window_bounds = array<i64: 1, 128>}, {transform_indices = @transform_4, window_bounds = array<i64: 512, 128>}]} {
    %mul3A = arith.constant 512 : i32
    %mul3A_0 = arith.muli %arg0, %mul3A : i32
    %get3A = arith.constant 0 : index
    %get3A_1 = arith.index_cast %mul3A_0 : i32 to index
    %get3A_2 = vector.load %arg3[%get3A, %get3A_1] : memref<1x10240xf32, #tpu.memory_space<vmem>>, vector<1x512xf32>
    %get3A_3 = vector.shape_cast %get3A_2 : vector<1x512xf32> to vector<512xf32>
    %broadcast_in_dim3A = vector.shape_cast %get3A_3 : vector<512xf32> to vector<512x1xf32>
    %get3A_4 = arith.constant 0 : index
    %get3A_5 = arith.constant 0 : index
    %get3A_6 = arith.constant 0 : index
    %get3A_7 = vector.load %arg1[%get3A_4, %get3A_5, %get3A_6] : memref<2x512x128xf32, #tpu.memory_space<vmem>>, vector<1x512x128xf32>
    %get3A_8 = vector.shape_cast %get3A_7 : vector<1x512x128xf32> to vector<512x128xf32>
    %get3A_9 = arith.constant 1 : index
    %get3A_10 = arith.constant 0 : index
    %get3A_11 = arith.constant 0 : index
    %get3A_12 = vector.load %arg1[%get3A_9, %get3A_10, %get3A_11] : memref<2x512x128xf32, #tpu.memory_space<vmem>>, vector<1x512x128xf32>
    %get3A_13 = vector.shape_cast %get3A_12 : vector<1x512x128xf32> to vector<512x128xf32>
    %add3A = arith.addf %get3A_8, %get3A_13 : vector<512x128xf32>
    %get3A_14 = arith.constant 0 : index
    %get3A_15 = arith.constant 0 : index
    %get3A_16 = vector.load %arg2[%get3A_14, %get3A_15] : memref<512x128xf32, #tpu.memory_space<vmem>>, vector<512x128xf32>
    %add3A_17 = arith.addf %add3A, %get3A_16 : vector<512x128xf32>
    %mul3A_18 = vector.broadcast %broadcast_in_dim3A : vector<512x1xf32> to vector<512x128xf32>
    %mul3A_19 = arith.mulf %mul3A_18, %add3A_17 : vector<512x128xf32>
    %get3A_20 = arith.constant 0 : index
    %get3A_21 = arith.constant 0 : index
    %get3A_22 = vector.load %arg4[%get3A_20, %get3A_21] : memref<1x128xf32, #tpu.memory_space<vmem>>, vector<1x128xf32>
    %add3A_23 = vector.broadcast %get3A_22 : vector<1x128xf32> to vector<512x128xf32>
    %add3A_24 = arith.addf %mul3A_19, %add3A_23 : vector<512x128xf32>
    %gt3A = arith.constant 0.000000e+00 : f32
    %gt3A_25 = vector.broadcast %gt3A : f32 to vector<512x128xf32>
    %gt3A_26 = arith.cmpf ogt, %add3A_24, %gt3A_25 : vector<512x128xf32>
    %min3A = arith.constant 0.000000e+00 : f32
    %min3A_27 = vector.broadcast %min3A : f32 to vector<512x128xf32>
    %min3A_28 = arith.minimumf %add3A_24, %min3A_27 : vector<512x128xf32>
    %exp3A = math.exp %min3A_28 : vector<512x128xf32>
    %sub3A = arith.constant 1.000000e+00 : f32
    %sub3A_29 = vector.broadcast %sub3A : f32 to vector<512x128xf32>
    %sub3A_30 = arith.subf %exp3A, %sub3A_29 : vector<512x128xf32>
    %select_n3A = arith.select %gt3A_26, %add3A_24, %sub3A_30 : vector<512x128xi1>, vector<512x128xf32>
    %mul3A_31 = vector.broadcast %broadcast_in_dim3A : vector<512x1xf32> to vector<512x128xf32>
    %mul3A_32 = arith.mulf %select_n3A, %mul3A_31 : vector<512x128xf32>
    %swap3A = arith.constant 0 : index
    %swap3A_33 = arith.constant 0 : index
    %swap3A_34 = vector.load %arg5[%swap3A, %swap3A_33] : memref<512x128xf32, #tpu.memory_space<vmem>>, vector<512x128xf32>
    tpu.vector_store %arg5[%swap3A, %swap3A_33], %mul3A_32 {strides = array<i32>} : memref<512x128xf32, #tpu.memory_space<vmem>>, vector<512x128xf32>,
    return
  }
  func.func @transform_0(%arg0: i32) -> (i32, i32, i32) {
    %c0_i32 = arith.constant 0 : i32
    %c0_i32_0 = arith.constant 0 : i32
    %c0_i32_1 = arith.constant 0 : i32
    return %c0_i32, %arg0, %c0_i32_0 : i32, i32, i32
  }
  func.func @transform_1(%arg0: i32) -> (i32, i32) {
    %c0_i32 = arith.constant 0 : i32
    %c0_i32_0 = arith.constant 0 : i32
    return %arg0, %c0_i32 : i32, i32
  }
  func.func @transform_2(%arg0: i32) -> (i32, i32) {
    %c0_i32 = arith.constant 0 : i32
    %c0_i32_0 = arith.constant 0 : i32
    %c0_i32_1 = arith.constant 0 : i32
    return %c0_i32, %c0_i32_0 : i32, i32
  }
  func.func @transform_3(%arg0: i32) -> (i32, i32) {
    %c0_i32 = arith.constant 0 : i32
    %c0_i32_0 = arith.constant 0 : i32
    %c0_i32_1 = arith.constant 0 : i32
    return %c0_i32, %c0_i32_0 : i32, i32
  }
  func.func @transform_4(%arg0: i32) -> (i32, i32) {
    %c0_i32 = arith.constant 0 : i32
    %c0_i32_0 = arith.constant 0 : i32
    return %arg0, %c0_i32 : i32, i32
  }
}

module attributes {stable_mosaic.version = 14 : i64} {
  func.func @_fin_body(%arg0: i32, %arg1: memref<2x512x128xf32, #tpu.memory_space<vmem>>, %arg2: memref<512x128xf32, #tpu.memory_space<vmem>>, %arg3: memref<1x10240xf32, #tpu.memory_space<vmem>>, %arg4: memref<128x64xf32, #tpu.memory_space<vmem>>, %arg5: memref<1x64xf32, #tpu.memory_space<vmem>>, %arg6: memref<512x64xf32, #tpu.memory_space<vmem>>) attributes {dimension_semantics = [#tpu.dimension_semantics<arbitrary>], iteration_bounds = array<i64: 20>, scalar_prefetch = 0 : i64, scratch_operands = 0 : i64, tpu.core_type = #tpu.core_type<tc>, window_params = [{transform_indices = @transform_0, window_bounds = array<i64: 2, 512, 128>}, {transform_indices = @transform_1, window_bounds = array<i64: 512, 128>}, {pipeline_mode = #tpu.pipeline_mode<synchronous>, transform_indices = @transform_2, window_bounds = array<i64: 1, 10240>}, {pipeline_mode = #tpu.pipeline_mode<synchronous>, transform_indices = @transform_3, window_bounds = array<i64: 128, 64>}, {pipeline_mode = #tpu.pipeline_mode<synchronous>, transform_indices = @transform_4, window_bounds = array<i64: 1, 64>}, {transform_indices = @transform_5, window_bounds = array<i64: 512, 64>}]} {
    %mul3A = arith.constant 512 : i32
    %mul3A_0 = arith.muli %arg0, %mul3A : i32
    %get3A = arith.constant 0 : index
    %get3A_1 = arith.index_cast %mul3A_0 : i32 to index
    %get3A_2 = vector.load %arg3[%get3A, %get3A_1] : memref<1x10240xf32, #tpu.memory_space<vmem>>, vector<1x512xf32>
    %get3A_3 = vector.shape_cast %get3A_2 : vector<1x512xf32> to vector<512xf32>
    %broadcast_in_dim3A = vector.shape_cast %get3A_3 : vector<512xf32> to vector<512x1xf32>
    %get3A_4 = arith.constant 0 : index
    %get3A_5 = arith.constant 0 : index
    %get3A_6 = arith.constant 0 : index
    %get3A_7 = vector.load %arg1[%get3A_4, %get3A_5, %get3A_6] : memref<2x512x128xf32, #tpu.memory_space<vmem>>, vector<1x512x128xf32>
    %get3A_8 = vector.shape_cast %get3A_7 : vector<1x512x128xf32> to vector<512x128xf32>
    %get3A_9 = arith.constant 1 : index
    %get3A_10 = arith.constant 0 : index
    %get3A_11 = arith.constant 0 : index
    %get3A_12 = vector.load %arg1[%get3A_9, %get3A_10, %get3A_11] : memref<2x512x128xf32, #tpu.memory_space<vmem>>, vector<1x512x128xf32>
    %get3A_13 = vector.shape_cast %get3A_12 : vector<1x512x128xf32> to vector<512x128xf32>
    %add3A = arith.addf %get3A_8, %get3A_13 : vector<512x128xf32>
    %get3A_14 = arith.constant 0 : index
    %get3A_15 = arith.constant 0 : index
    %get3A_16 = vector.load %arg2[%get3A_14, %get3A_15] : memref<512x128xf32, #tpu.memory_space<vmem>>, vector<512x128xf32>
    %add3A_17 = arith.addf %add3A, %get3A_16 : vector<512x128xf32>
    %mul3A_18 = vector.broadcast %broadcast_in_dim3A : vector<512x1xf32> to vector<512x128xf32>
    %mul3A_19 = arith.mulf %mul3A_18, %add3A_17 : vector<512x128xf32>
    %get3A_20 = arith.constant 0 : index
    %get3A_21 = arith.constant 0 : index
    %get3A_22 = vector.load %arg4[%get3A_20, %get3A_21] : memref<128x64xf32, #tpu.memory_space<vmem>>, vector<128x64xf32>
    %dot_general3A = arith.constant dense<0.000000e+00> : vector<512x64xf32>
    %dot_general3A_23 = tpu.matmul %mul3A_19, %get3A_22, %dot_general3A {dimension_numbers = #tpu.dot_dimension_numbers<[1], [0], [0], [1], [0, 0, 1, 1], [], []>, transpose_lhs_hint = false} : vector<512x128xf32>, vector<128x64xf32>, vector<512x64xf32> -> vector<512x64xf32>
    %get3A_24 = arith.constant 0 : index
    %get3A_25 = arith.constant 0 : index
    %get3A_26 = vector.load %arg5[%get3A_24, %get3A_25] : memref<1x64xf32, #tpu.memory_space<vmem>>, vector<1x64xf32>
    %add3A_27 = vector.broadcast %get3A_26 : vector<1x64xf32> to vector<512x64xf32>
    %add3A_28 = arith.addf %dot_general3A_23, %add3A_27 : vector<512x64xf32>
    %swap3A = arith.constant 0 : index
    %swap3A_29 = arith.constant 0 : index
    %swap3A_30 = vector.load %arg6[%swap3A, %swap3A_29] : memref<512x64xf32, #tpu.memory_space<vmem>>, vector<512x64xf32>
    tpu.vector_store %arg6[%swap3A, %swap3A_29], %add3A_28 {strides = array<i32>} : memref<512x64xf32, #tpu.memory_space<vmem>>, vector<512x64xf32>,
    return
  }
  func.func @transform_0(%arg0: i32) -> (i32, i32, i32) {
    %c0_i32 = arith.constant 0 : i32
    %c0_i32_0 = arith.constant 0 : i32
    %c0_i32_1 = arith.constant 0 : i32
    return %c0_i32, %arg0, %c0_i32_0 : i32, i32, i32
  }
  func.func @transform_1(%arg0: i32) -> (i32, i32) {
    %c0_i32 = arith.constant 0 : i32
    %c0_i32_0 = arith.constant 0 : i32
    return %arg0, %c0_i32 : i32, i32
  }
  func.func @transform_2(%arg0: i32) -> (i32, i32) {
    %c0_i32 = arith.constant 0 : i32
    %c0_i32_0 = arith.constant 0 : i32
    %c0_i32_1 = arith.constant 0 : i32
    return %c0_i32, %c0_i32_0 : i32, i32
  }
  func.func @transform_3(%arg0: i32) -> (i32, i32) {
    %c0_i32 = arith.constant 0 : i32
    %c0_i32_0 = arith.constant 0 : i32
    %c0_i32_1 = arith.constant 0 : i32
    return %c0_i32, %c0_i32_0 : i32, i32
  }
  func.func @transform_4(%arg0: i32) -> (i32, i32) {
    %c0_i32 = arith.constant 0 : i32
    %c0_i32_0 = arith.constant 0 : i32
    %c0_i32_1 = arith.constant 0 : i32
    return %c0_i32, %c0_i32_0 : i32, i32
  }
  func.func @transform_5(%arg0: i32) -> (i32, i32) {
    %c0_i32 = arith.constant 0 : i32
    %c0_i32_0 = arith.constant 0 : i32
    return %arg0, %c0_i32 : i32, i32
  }
}

</mosaic_0001>

<sc_bundles>
// kernel: kernel.12.cloned.1.call-start
scs
__scs_entry_jumppad:
0x0: {  	(pc) =	sbr.rel $0x88, $3  }
0x1: {  	(tag) =	ssettag $0x0;
	lr =	simm.s32 $0x1  }
0x2: {  	[smem:$0x3F9B] =	sst lr;
	_ =	strace $0xD0000000  }
0x3: {  	_ = 	snop  }
0x4: {  	_ = 	snop  }
0x5: {  	_ = 	snop  }
0x6: {  	_ = 	snop  }
0x7: {  	_ = 	snop  }
__scs_overlays_trampoline_lowered:
0x8: {  	[smem:$0x3FAA] =	sst s0  }
0x9: {  	[smem:$0x3FAB] =	sst s1  }
0xa: {  	[smem:$0x3FAC] =	sst s2  }
0xb: {  	[smem:$0x3FAD] =	sst s3  }
0xc: {  	[smem:$0x3FAE] =	sst s4  }
0xd: {  	[smem:$0x3FAF] =	sst s5  }
0xe: {  	[smem:$0x3FB0] =	sst s6  }
0xf: {  	[smem:$0x3FB1] =	sst s7  }
0x10: {  	[smem:$0x3FB2] =	sst s8  }
0x11: {  	[smem:$0x3FB3] =	sst s9;
	s0 =	simm.s32 @!p0 $0x0  }
0x12: {  	s1 =	sld [smem:$0x3F99];
	s0 =	simm.s32 @p0 $0x1  }
0x13: {  	[smem:$0x3FB4] =	sst s0;
	s0 =	simm.s32 @!p1 $0x0  }
0x14: {  	s2 =	sld [smem:$0x3F98];
	s0 =	simm.s32 @p1 $0x1  }
0x15: {  	[smem:$0x3FB5] =	sst s0;
	s0 =	simm.s32 @!p2 $0x0  }
0x16: {  	s3 =	sld [smem:$0x3FDB];
	s0 =	simm.s32 @p2 $0x1  }
0x17: {  	s4 =	simm.s32 $0x1BF5;
	[smem:$0x3FB7] =	sst s0  }
0x18: {  	s0 =	sld [smem:$0x3F9A];
	_ =	swait.ge [sflag:s4], $0x0  }
0x19: {  	s7 =	sld [smem:$0x3F9B]  }
0x1a: {  	s8 =	sadd.s32 $0xFFFFE003, lr  }
0x1b: {  	s9 =	sadd.s32 $0xFFFFFEF7, lr;
	s5 =	simm.s32 $0xFFFFFFFF;
	p2 =	slt.u32 s8, $0xFFFFF086  }
0x1c: {  	p1 =	slt.u32 s9, $0xF7A;
	s5 =	simm.s32 @!p2 $0x0  }
0x1d: {  	s5 =	simm.s32 @p1 $0x1;
	p0 =	seq.s32 s7, s2  }
0x1e: {  	s7 =	smul.u32 @!p0 $0xF7A, s2;
	p2 =	seq.s32 @!p0 s5, $0x0  }
0x1f: {  	s9 =	smul.u32 $0xF7A, s1;
	s8 =	simm.s32 @!p0 $0x1BF5;
	p2 =	por !p2, p0  }
0x20: {  	[sflag:s8] =	ssyncset.s32 @!p0 $0xFFFFF086;
	s6 =	sadd.s32 @!p0 s3, s7;
	s7 =	simm.s32 @!p0 $0x108  }
0x21: {  	s3 =	sadd.s32 s3, s9;
	s6 =	sadd.s32 @!p0 $0x88, s6;
	s7 =	simm.s32 @p2 $0x1082  }
0x22: {  	[simem:s7], [sflag:s8] =	dma.local @!p0 [hbm:s6], $0xF7A  }
0x23: {  	s9 =	sor.u32 $0xD0000000, s2;
	s6 =	simm.s32 $0x108;
	_ =	swait.ge @!p0 [sflag:s8], $0x0  }
0x24: {  	s3 =	sadd.s32 $0x88, s3;
	s6 =	simm.s32 @!p1 $0x1082;
	[sflag:s4] =	ssyncset.s32 $0xFFFFF086  }
0x25: {  	[simem:s6], [sflag:s4] =	dma.local [hbm:s3], $0xF7A  }
0x26: {  	[smem:$0x3F9B] =	sst s1;
	(tag) =	ssettag s2;
	_ =	strace s9  }
0x27: {  	s1 =	sld [smem:$0x3FAB]  }
0x28: {  	s2 =	sld [smem:$0x3FAC]  }
0x29: {  	s4 =	sld [smem:$0x3FAE]  }
0x2a: {  	p0 =	seq.s32 s5, $0x0;
	s5 =	sld [smem:$0x3FAF]  }
0x2b: {  	s6 =	sld [smem:$0x3FB0]  }
0x2c: {  	s7 =	sld [smem:$0x3FB1]  }
0x2d: {  	s3 =	simm.s32 $0x108;
	s8 =	sld [smem:$0x3FB2]  }
0x2e: {  	s3 =	simm.s32 @!p0 $0x1082;
	s9 =	sld [smem:$0x3FB3]  }
0x2f: {  	lr =	sadd.s32 s0, s3;
	s0 =	sld [smem:$0x3FAA]  }
0x30: {  	s3 =	sld [smem:$0x3FAD]  }
0x31: {  	[smem:$0x3FB6] =	sst s10  }
0x32: {  	s10 =	sld [smem:$0x3FB4];
	_ =	sdelay $0x3  }
0x33: {  	p0 =	seq.s32 s10, $0x1;
	s10 =	sld [smem:$0x3FB6];
	_ =	sdelay $0x3  }
0x34: {  	[smem:$0x3FB6] =	sst s10  }
0x35: {  	s10 =	sld [smem:$0x3FB5];
	_ =	sdelay $0x3  }
0x36: {  	p1 =	seq.s32 s10, $0x1;
	s10 =	sld [smem:$0x3FB6];
	_ =	sdelay $0x3  }
0x37: {  	[smem:$0x3FB6] =	sst s10  }
0x38: {  	s10 =	sld [smem:$0x3FB7]  }
0x39: {  	_ = 	snop;
	(pc) =	sbr.ind lr, $3  }
0x3a: {  	_ = 	snop  }
0x3b: {  	_ = 	snop  }
0x3c: {  	p2 =	seq.s32 s10, $0x1;
	s10 =	sld [smem:$0x3FB6]  }
0x3d: {  	_ =	shalt  }
0x3e: {  	_ =	shalt  }
0x3f: {  	_ =	shalt  }
0x40: {  	_ =	shalt  }
0x41: {  	_ =	shalt  }
0x42: {  	_ =	shalt  }
0x43: {  	_ =	shalt  }
0x44: {  	_ =	shalt  }
0x45: {  	_ =	shalt  }
0x46: {  	_ =	shalt  }
0x47: {  	_ =	shalt  }
0x48: {  	_ =	shalt  }
0x49: {  	_ =	shalt  }
0x4a: {  	_ =	shalt  }
0x4b: {  	_ =	shalt  }
0x4c: {  	_ =	shalt  }
0x4d: {  	_ =	shalt  }
0x4e: {  	_ =	shalt  }
0x4f: {  	_ =	shalt  }
0x50: {  	_ =	shalt  }
0x51: {  	_ =	shalt  }
0x52: {  	_ =	shalt  }
0x53: {  	_ =	shalt  }
0x54: {  	_ =	shalt  }
0x55: {  	_ =	shalt  }
0x56: {  	_ =	shalt  }
0x57: {  	_ =	shalt  }
0x58: {  	_ =	shalt  }
0x59: {  	_ =	shalt  }
0x5a: {  	_ =	shalt  }
0x5b: {  	_ =	shalt  }
0x5c: {  	_ =	shalt  }
0x5d: {  	_ =	shalt  }
0x5e: {  	_ =	shalt  }
0x5f: {  	_ =	shalt  }
0x60: {  	_ =	shalt  }
0x61: {  	_ =	shalt  }
0x62: {  	_ =	shalt  }
0x63: {  	_ =	shalt  }
0x64: {  	_ =	shalt  }
0x65: {  	_ =	shalt  }
0x66: {  	_ =	shalt  }
0x67: {  	_ =	shalt  }
0x68: {  	_ =	shalt  }
0x69: {  	_ =	shalt  }
0x6a: {  	_ =	shalt  }
0x6b: {  	_ =	shalt  }
0x6c: {  	_ =	shalt  }
0x6d: {  	_ =	shalt  }
0x6e: {  	_ =	shalt  }
0x6f: {  	_ =	shalt  }
0x70: {  	_ =	shalt  }
0x71: {  	_ =	shalt  }
0x72: {  	_ =	shalt  }
0x73: {  	_ =	shalt  }
0x74: {  	_ =	shalt  }
0x75: {  	_ =	shalt  }
0x76: {  	_ =	shalt  }
0x77: {  	_ =	shalt  }
0x78: {  	_ =	shalt  }
0x79: {  	_ =	shalt  }
0x7a: {  	_ =	shalt  }
0x7b: {  	_ =	shalt  }
0x7c: {  	_ =	shalt  }
0x7d: {  	_ =	shalt  }
0x7e: {  	_ =	shalt  }
0x7f: {  	_ =	shalt  }
0x80: {  	_ =	shalt  }
0x81: {  	_ =	shalt  }
0x82: {  	_ =	shalt  }
0x83: {  	_ =	shalt  }
0x84: {  	_ =	shalt  }
0x85: {  	_ =	shalt  }
0x86: {  	_ =	shalt  }
0x87: {  	_ =	shalt  }
.Lfunc_end0:
.L_simem_size_0:
called_computation.1_lowered:
.L_overlay_start_0:
0x88: {  	s2 =	sld [smem:$0x3FD9]  }
0x89: {  	s3 =	sld [smem:$0x3FFE];
	_ =	sdelay $0x1  }
0x8a: {  	s1 =	srdreg.scid  }
0x8b: {  	s0 =	sand.u32 $0x1, s1  }
0x8c: {  	s17 =	sshll.u32 s0, $0xA;
	s2 =	sadd.s32 s3, s2  }
0x8d: {  	s2 =	sadd.s32 s2, s17  }
0x8e: {  	[smem:$0x3FC2] =	sst s2  }
0x8f: {  	_ = 	snop  }
0x90: {  	s2 =	sld [smem:$0x3FD0];
	(tm) =	ssettm $0x1  }
0x91: {  	s18 =	sld [smem:$0x3FFB];
	_ =	sdelay $0x3  }
0x92: {  	_ =	strace s18  }
0x93: {  	s3 =	sld [smem:$0x3FFC];
	_ =	sdelay $0x3  }
0x94: {  	_ =	strace s3  }
0x95: {  	s3 =	sld [smem:$0x3FFD];
	_ =	sdelay $0x3  }
0x96: {  	_ =	strace s3  }
0x97: {  	_ =	strace $0x8FFFFFFF  }
0x98: {  	s19 =	sld [smem:$0x3FDB];
	_ =	sdelay $0x1  }
0x99: {  	s4 =	simm.s32 $_scs_section_size  }
0x9a: {  	s5 =	simm.s32 $_size__tile_overlayer_lowered;
	s6 =	simm.s32 $_tile_overlayer_lowered  }
0x9b: {  	s22 =	simm.s32 $0x1BFF;
	s21 =	sshll.u32 s6, $0x1;
	s3 =	sadd.s32 s4, s19  }
0x9c: {  	s7 =	simm.s32 $0x0;
	s20 =	sshll.u32 s5, $0x1;
	s5 =	sadd.s32 s21, s3  }
0x9d: {  	[timem:s7], [sflag:s22] =	dma.local [hbm:s5], s20  }
0x9e: {  	_ =	swait.ge [sflag:s22], s20  }
0x9f: {  	s4 =	ssub.s32 $0x0, s20;
	[sflag:s22] =	ssyncset.done $0x0  }
0xa0: {  	[sflag:s22] =	ssyncadd.s32 s4;
	_ =	sdelay $0x1  }
0xa1: {  	s23 =	simm.s32 $0x1B8B  }
0xa2: {  	_ =	swait.ge [sflag:s23], $0x1  }
0xa3: {  	[sflag:s23] =	ssyncset.done $0x0  }
0xa4: {  	s25 =	simm.s32 $0x1B8E;
	s24 =	sld [smem:$0x3FFE];
	[sflag:s23] =	ssyncadd.s32 $0xFFFFFFFF  }
0xa5: {  	s26 =	simm.s32 $execute0_lowered;
	[smem:$0x3FD2] =	sst s25  }
0xa6: {  	s5 =	sshll.u32 s26, $0x1;
	_ =	strace $0x80000049;
	[dreg:$0x1] =	wrdreg $0xFFFFFFFF  }
0xa7: {  	s28 =	simm.s32 $_size_execute0_lowered;
	s3 =	sadd.s32 s3, s5;
	[dreg:$0x0] =	wrdreg $0x0  }
0xa8: {  	s5 =	sshll.u32 s28, $0x1;
	[dreg:$0x2] =	wrdreg s3  }
0xa9: {  	[dreg:$0x3] =	wrdreg s5  }
0xaa: {  	[dreg:$0x4] =	wrdreg $0xC0  }
0xab: {  	_ =	task [dreg:s7], $0x5FFFF  }
0xac: {  	[dreg:$0x1] =	wrdreg $0xFFFFFFFF  }
0xad: {  	[dreg:$0x0] =	wrdreg $0x60  }
0xae: {  	[dreg:$0x2] =	wrdreg s24  }
0xaf: {  	[dreg:$0x3] =	wrdreg s2  }
0xb0: {  	[dreg:$0x4] =	wrdreg $0x90000  }
0xb1: {  	[dreg:$0x5] =	wrdreg $0x9  }
0xb2: {  	_ =	task.clear_ibuf [dreg:s7], $0x6FFFF;
	_ =	strace $0x90000049  }
0xb3: {  	s29 =	simm.s32 $0x9;
	_ =	strace $0x8000004B  }
0xb4: {  	_ =	swait.ge [sflag:s29], $0x1  }
0xb5: {  	[sflag:s29] =	ssyncadd.s32 $0xFFFFFFFF  }
0xb6: {  	_ =	strace $0x9000004B  }
0xb7: {  	_ =	sfence  }
0xb8: {  	s30 =	sld [smem:$0x0];
	_ =	sdelay $0x2  }
0xb9: {  	s31 =	sshll.u32 s1, $0xD;
	s1 =	sshrl.u32 s1, $0x2  }
0xba: {  	s3 =	sand.u32 $0x4000, s31;
	s1 =	sadd.s32 s1, s30  }
0xbb: {  	s0 =	sor.u32 s3, s0;
	s1 =	sshll.u32 s1, $0x11  }
0xbc: {  	s0 =	sor.u32 s1, s0  }
0xbd: {  	s0 =	sadd.s32 $0x8F2B, s0  }
0xbe: {  	[sflag:s0] =	ssyncadd.remote.s32 $0x1  }
0xbf: {  	_ =	sfence.sel $0xFFFF  }
0xc0: {  	[dreg:$0x0] =	wrdreg $0xFFFFFFFF;
	(pc) =	sbr.abs _section_cstart, $3  }
0xc1: {  	[dreg:$0x1] =	wrdreg $0xFFFFFFFF  }
0xc2: {  	_ =	task.clear_ibuf [dreg:s7], $0x2FFFF;
	_ =	strace $0x9FFFFFFF  }
0xc3: {  	(tm) =	ssettm $0x7FFFFFFF  }
tec
execute0_lowered:
.L_overlay_start_1:
0x0: {  	(tag) =	ssettag $0x1  }
0x1: {  	s5 =	rddreg [dreg:$0x0]  }
0x2: {  	s0 =	srdreg.scid;
	s6 =	rddreg [dreg:$0x1]  }
0x3: {  	s2 =	rddreg [dreg:$0x2];
	s1 =	stileid.u32  }
0x4: {  	s3 =	simm.s32 $0x0;
	s20 =	simm.s32 $0x5000;
	s21 =	simm.s32 $0x80  }
0x5: {  	s22 =	simm.s32 $0x1;
	s8 =	sand.u32 $0x1, s0;
	s0 =	rddreg [dreg:$0x3]  }
0x6: {  	s23 =	simm.s32 $0x0;
	[smem:$0x7FF] =	sst s3;
	s11 =	smul.u32 $0x50000, s1  }
0x7: {  	s16 =	sadd.s32 $0x34A00, s5;
	s12 =	smul.u32 $0x14000, s1;
	s4 =	sshll.u32 s8, $0x4  }
0x8: {  	_ =	strace $0x8000004A;
	s10 =	ssub.s32 $0x2, s8;
	s18 =	smul.u32 $0x140000, s8  }
0x9: {  	s4 =	sor.u32 s1, s4;
	s29 =	sshrl.u32 s10, $0x1;
	s30 =	sshrl.u32 s11, $0x2  }
0xa: {  	s31 =	sadd.s32 $0x4000, s12;
	s14 =	sadd.s32 $0x8000, s12;
	s15 =	sadd.s32 $0xC000, s12  }
0xb: {  	s19 =	sadd.s32 $0x10000, s12;
	s7 =	smul.u32 $0x500, s4;
	s4 =	sadd.s32 $0xCA00, s5  }
0xc: {  	s17 =	ssub.s32 s10, s29;
	s8 =	sadd.s32 s31, s2;
	s10 =	sadd.s32 s15, s2  }
0xd: {  	s12 =	sadd.s32 s12, s18;
	s13 =	sadd.s32 s18, s31;
	s11 =	sadd.s32 s19, s2  }
0xe: {  	s15 =	sadd.s32 s18, s15;
	s12 =	sshrl.u32 s12, $0x3;
	s13 =	sshrl.u32 s13, $0x3  }
0xf: {  	s15 =	sshrl.u32 s15, $0x3;
	s17 =	smax.u32 s17, $0x1;
	s9 =	sadd.s32 s7, s5  }
0x10: {  	s5 =	sadd.s32 s6, s7;
	s7 =	sadd.s32 s30, s2;
	s12 =	sadd.s32 s16, s12  }
0x11: {  	s13 =	sadd.s32 s16, s13;
	s15 =	sadd.s32 s16, s15;
	s6 =	sadd.s32 $0x2A00, s9  }
0x12: {  	s9 =	sadd.s32 s14, s2;
	s14 =	sadd.s32 s18, s14;
	s18 =	sadd.s32 s18, s19  }
0x13: {  	s19 =	simm.s32 $0x2800;
	s14 =	sshrl.u32 s14, $0x3;
	s18 =	sshrl.u32 s18, $0x3  }
0x14: {  	v0 =	vimm.f32 $0.0e+00;
	s14 =	sadd.s32 s16, s14;
	s16 =	sadd.s32 s16, s18;
	s18 =	simm.s32 $0x2  }
.LBB2_1:
0x15: {  	[tilespmem:s3], [sflag:$0x2] =	stream.linear.gather [hbm4b:s5+s3], $0x2800, $0x38;
	[tilespmem:$0x1D000] =	vst v63  }
0x16: {  	_ =	swait.ge [sflag:s18], $0x2800  }
0x17: {  	[sflag:s18] =	ssyncset.done $0x0  }
0x18: {  	[sflag:s18] =	ssyncadd.s32 $0xFFFFD800  }
0x19: {  	[tilespmem:s19], [sflag:$0x2] =	stream.linear.gather [hbm4b:s6+s3], $0x2800, $0x38;
	[tilespmem:$0x1D000] =	vst v63  }
0x1a: {  	_ =	swait.ge [sflag:s18], $0x2800  }
0x1b: {  	[sflag:s18] =	ssyncset.done $0x0  }
0x1c: {  	s24 =	simm.s32 $0x0;
	s25 =	simm.s32 $0x200;
	[sflag:s18] =	ssyncadd.s32 $0xFFFFD800  }
.LBB2_2:
0x1d: {  	p0 =	sne.s32 s25, $0xFE00;
	[tilespmem:s24+$0x5070] =	vst v0  }
0x1e: {  	[tilespmem:s24+$0x5000] =	vst v0  }
0x1f: {  	[tilespmem:s24+$0x5010] =	vst v0  }
.Ltmp0:
0x20: {  	[tilespmem:s24+$0x5020] =	vst v0;
	(pc) =	sbr.rel @p0 .LBB2_2-.Ltmp0, $4  }
0x21: {  	[tilespmem:s24+$0x5030] =	vst v0  }
0x22: {  	[tilespmem:s24+$0x5040] =	vst v0  }
0x23: {  	[tilespmem:s24+$0x5050] =	vst v0  }
0x24: {  	[tilespmem:s24+$0x5060] =	vst v0;
	s24 =	sshra.s32 s25, $0x2;
	s25 =	sadd.s32 $0x200, s25  }
0x25: {  	[tilespmem:s24+$0x5070] =	vst v0  }
0x26: {  	[tilespmem:s24+$0x5000] =	vst v0  }
0x27: {  	[tilespmem:s24+$0x5010] =	vst v0  }
0x28: {  	[tilespmem:s24+$0x5020] =	vst v0  }
0x29: {  	[tilespmem:s24+$0x5030] =	vst v0  }
0x2a: {  	[tilespmem:s24+$0x5040] =	vst v0  }
0x2b: {  	[tilespmem:s24+$0x5050] =	vst v0  }
0x2c: {  	[tilespmem:s24+$0x5060] =	vst v0  }
0x2d: {  	[spmem:s7] =	stream.linear.scatter [tilespmem:s20], [sflag:$0x2], $0x4000, $0x38;
	[tilespmem:$0x1D000] =	vst v63  }
0x2e: {  	_ =	swait.ge [sflag:s18], $0x4000  }
0x2f: {  	[sflag:s18] =	ssyncset.done $0x0  }
0x30: {  	[sflag:s18] =	ssyncadd.s32 $0xFFFFC000  }
0x31: {  	[spmem:s8] =	stream.linear.scatter [tilespmem:s20], [sflag:$0x2], $0x4000, $0x38;
	[tilespmem:$0x1D000] =	vst v63  }
0x32: {  	_ =	swait.ge [sflag:s18], $0x4000  }
0x33: {  	[sflag:s18] =	ssyncset.done $0x0  }
0x34: {  	[sflag:s18] =	ssyncadd.s32 $0xFFFFC000  }
0x35: {  	[spmem:s9] =	stream.linear.scatter [tilespmem:s20], [sflag:$0x2], $0x4000, $0x38;
	[tilespmem:$0x1D000] =	vst v63  }
0x36: {  	_ =	swait.ge [sflag:s18], $0x4000  }
0x37: {  	[sflag:s18] =	ssyncset.done $0x0  }
0x38: {  	[sflag:s18] =	ssyncadd.s32 $0xFFFFC000  }
0x39: {  	[spmem:s10] =	stream.linear.scatter [tilespmem:s20], [sflag:$0x2], $0x4000, $0x38;
	[tilespmem:$0x1D000] =	vst v63  }
0x3a: {  	_ =	swait.ge [sflag:s18], $0x4000  }
0x3b: {  	[sflag:s18] =	ssyncset.done $0x0  }
0x3c: {  	[sflag:s18] =	ssyncadd.s32 $0xFFFFC000  }
0x3d: {  	[spmem:s11] =	stream.linear.scatter [tilespmem:s20], [sflag:$0x2], $0x4000, $0x38;
	[tilespmem:$0x1D000] =	vst v63  }
0x3e: {  	_ =	swait.ge [sflag:s18], $0x4000  }
0x3f: {  	[sflag:s18] =	ssyncset.done $0x0  }
0x40: {  	[sflag:s18] =	ssyncadd.s32 $0xFFFFC000  }
0x41: {  	s30 =	simm.s32 $0x0;
	[bflag:$0x0] =	sbarrier.arrive $0xFFFF  }
0x42: {  	[tilespmem:s20], [sflag:$0x1] =	stream.indirect.gather [hbm4b:s4+s21], $0x80, s30, s21, $0xb8;
	[tilespmem:$0x1D000] =	vst v63  }
0x43: {  	_ =	swait.ge [sflag:s22], $0x4000  }
0x44: {  	[sflag:s22] =	ssyncset.done $0x0  }
0x45: {  	s31 =	simm.s32 $0x2800;
	[sflag:s22] =	ssyncadd.s32 $0xFFFFC000  }
0x46: {  	[spmem:s2] =	stream.indirect.scatter.add.f32 [tilespmem:s20], [sflag:$0x2], $0x80, s31, s21, $0xb8;
	[tilespmem:$0x1D000] =	vst v63  }
0x47: {  	_ =	swait.ge [sflag:s18], $0x4000  }
0x48: {  	s24 =	simm.s32 $0x200;
	s25 =	simm.s32 $0x400;
	[sflag:s18] =	ssyncset.done $0x0  }
.LBB2_4:
0x49: {  	s26 =	sshra.s32 s24, $0x2  }
0x4a: {  	[sflag:s18] =	ssyncadd.s32 $0xFFFFC000;
	s24 =	smov.u32 s25;
	s28 =	sadd.s32 $0x200, s25  }
0x4b: {  	[tilespmem:s20], [sflag:$0x1] =	stream.indirect.gather [hbm4b:s4+s21], $0x80, s26, s21, $0xb8;
	[tilespmem:$0x1D000] =	vst v63  }
0x4c: {  	p0 =	sne.s32 s25, $0x9E00;
	_ =	swait.ge [sflag:s22], $0x4000  }
.Ltmp1:
0x4d: {  	[sflag:s22] =	ssyncset.done $0x0;
	(pc) =	sbr.rel @p0 .LBB2_4-.Ltmp1, $4  }
0x4e: {  	s25 =	sadd.s32 $0x2800, s26;
	[sflag:s22] =	ssyncadd.s32 $0xFFFFC000  }
0x4f: {  	[spmem:s2] =	stream.indirect.scatter.add.f32 [tilespmem:s20], [sflag:$0x2], $0x80, s25, s21, $0xb8;
	[tilespmem:$0x1D000] =	vst v63  }
0x50: {  	_ =	swait.ge [sflag:s18], $0x4000  }
0x51: {  	s25 =	smov.u32 s28;
	[sflag:s18] =	ssyncset.done $0x0  }
0x52: {  	s24 =	sshra.s32 s24, $0x2;
	[sflag:s18] =	ssyncadd.s32 $0xFFFFC000  }
0x53: {  	[tilespmem:s20], [sflag:$0x1] =	stream.indirect.gather [hbm4b:s4+s21], $0x80, s24, s21, $0xb8;
	[tilespmem:$0x1D000] =	vst v63  }
0x54: {  	_ =	swait.ge [sflag:s22], $0x4000  }
0x55: {  	[sflag:s22] =	ssyncset.done $0x0  }
0x56: {  	s24 =	sadd.s32 $0x2800, s24;
	[sflag:s22] =	ssyncadd.s32 $0xFFFFC000  }
0x57: {  	[spmem:s2] =	stream.indirect.scatter.add.f32 [tilespmem:s20], [sflag:$0x2], $0x80, s24, s21, $0xb8;
	[tilespmem:$0x1D000] =	vst v63  }
0x58: {  	_ =	swait.ge [sflag:s18], $0x4000  }
0x59: {  	[sflag:s18] =	ssyncset.done $0x0  }
0x5a: {  	s26 =	sshll.u32 s1, $0x6;
	[sflag:s18] =	ssyncadd.s32 $0xFFFFC000  }
0x5b: {  	s25 =	sshrl.u32 s7, $0x3;
	s24 =	sor.u32 $0x1C02, s26;
	[bflag:$0x0] =	sbarrier.arrive $0xFFFF  }
0x5c: {  	[hbm:s12], [sflag:s24] =	dma.local [spmem:s25], $0x800  }
0x5d: {  	_ =	swait.ge [sflag:s18], $0x800  }
0x5e: {  	[sflag:s18] =	ssyncset.done $0x0  }
0x5f: {  	s28 =	sshrl.u32 s8, $0x3;
	[sflag:s18] =	ssyncadd.s32 $0xFFFFF800  }
0x60: {  	[hbm:s13], [sflag:s24] =	dma.local [spmem:s28], $0x800  }
0x61: {  	_ =	swait.ge [sflag:s18], $0x800  }
0x62: {  	[sflag:s18] =	ssyncset.done $0x0  }
0x63: {  	s29 =	sshrl.u32 s9, $0x3;
	[sflag:s18] =	ssyncadd.s32 $0xFFFFF800  }
0x64: {  	[hbm:s14], [sflag:s24] =	dma.local [spmem:s29], $0x800  }
0x65: {  	_ =	swait.ge [sflag:s18], $0x800  }
0x66: {  	[sflag:s18] =	ssyncset.done $0x0  }
0x67: {  	s30 =	sshrl.u32 s10, $0x3;
	[sflag:s18] =	ssyncadd.s32 $0xFFFFF800  }
0x68: {  	[hbm:s15], [sflag:s24] =	dma.local [spmem:s30], $0x800  }
0x69: {  	s23 =	sadd.s32 $0x1, s23;
	_ =	swait.ge [sflag:s18], $0x800  }
0x6a: {  	p0 =	sne.s32 s23, s17;
	[sflag:s18] =	ssyncset.done $0x0  }
.Ltmp2:
0x6b: {  	s31 =	sshrl.u32 s11, $0x3;
	[sflag:s18] =	ssyncadd.s32 $0xFFFFF800;
	(pc) =	sbr.rel @p0 .LBB2_1-.Ltmp2, $4  }
0x6c: {  	[hbm:s16], [sflag:s24] =	dma.local [spmem:s31], $0x800  }
0x6d: {  	_ =	swait.ge [sflag:s18], $0x800  }
0x6e: {  	[sflag:s18] =	ssyncset.done $0x0  }
0x6f: {  	[sflag:s18] =	ssyncadd.s32 $0xFFFFF800  }
0x70: {  	_ =	sfence.sel $0x180000  }
0x71: {  	[bflag:$0x0] =	sbarrier.arrive $0xFFFF  }
0x72: {  	p0 =	sne.s32 s1, $0x0;
	_ =	strace $0x9000004A  }
0x73: {  	s0 =	sadd.s32 @!p0 $0x100000, s0;
	[bflag:$0x2] =	sbarrier.arrive $0xFFFF  }
0x74: {  	[sflag:s0] =	ssyncadd.tile.s32 @!p0 $0x1;
	_ =	shalt  }
.Lfunc_end2:
_tile_overlayer_lowered:
.L_overlay_start_2:
0x75: {  	(tag) =	ssettag $0x2  }
0x76: {  	s0 =	rddreg [dreg:$0x0];
	s2 =	stileid.u32  }
0x77: {  	s1 =	rddreg [dreg:$0x1];
	p0 =	sne.s32 s2, $0x0  }
0x78: {  	s3 =	rddreg [dreg:$0x2];
	[bflag:$0x3] =	sbarrier.arrive $0xFFFF;
	s2 =	simm.s32 @!p0 $0x1C02  }
0x79: {  	[timem:s3], [sflag:s2] =	dma.local @!p0 [hbm:s0], s1  }
0x7a: {  	s0 =	simm.s32 @!p0 $0x2  }
0x7b: {  	_ =	swait.ge @!p0 [sflag:s0], s1  }
0x7c: {  	s1 =	ssub.s32 @!p0 $0x0, s1;
	[sflag:s0] =	ssyncset.done @!p0 $0x0  }
0x7d: {  	[sflag:s0] =	ssyncadd.s32 @!p0 s1  }
0x7e: {  	[bflag:$0x3] =	sbarrier.arrive $0xFFFF  }
0x7f: {  	_ =	shalt  }

// kernel: kernel.15.cloned.1.call-start
scs
__scs_entry_jumppad:
0x0: {  	(pc) =	sbr.rel $0x88, $3  }
0x1: {  	(tag) =	ssettag $0x0;
	lr =	simm.s32 $0x1  }
0x2: {  	[smem:$0x3F9B] =	sst lr;
	_ =	strace $0xD0000000  }
0x3: {  	_ = 	snop  }
0x4: {  	_ = 	snop  }
0x5: {  	_ = 	snop  }
0x6: {  	_ = 	snop  }
0x7: {  	_ = 	snop  }
__scs_overlays_trampoline_lowered:
0x8: {  	[smem:$0x3FAA] =	sst s0  }
0x9: {  	[smem:$0x3FAB] =	sst s1  }
0xa: {  	[smem:$0x3FAC] =	sst s2  }
0xb: {  	[smem:$0x3FAD] =	sst s3  }
0xc: {  	[smem:$0x3FAE] =	sst s4  }
0xd: {  	[smem:$0x3FAF] =	sst s5  }
0xe: {  	[smem:$0x3FB0] =	sst s6  }
0xf: {  	[smem:$0x3FB1] =	sst s7  }
0x10: {  	[smem:$0x3FB2] =	sst s8  }
0x11: {  	[smem:$0x3FB3] =	sst s9;
	s0 =	simm.s32 @!p0 $0x0  }
0x12: {  	s1 =	sld [smem:$0x3F99];
	s0 =	simm.s32 @p0 $0x1  }
0x13: {  	[smem:$0x3FB4] =	sst s0;
	s0 =	simm.s32 @!p1 $0x0  }
0x14: {  	s2 =	sld [smem:$0x3F98];
	s0 =	simm.s32 @p1 $0x1  }
0x15: {  	[smem:$0x3FB5] =	sst s0;
	s0 =	simm.s32 @!p2 $0x0  }
0x16: {  	s3 =	sld [smem:$0x3FDB];
	s0 =	simm.s32 @p2 $0x1  }
0x17: {  	s4 =	simm.s32 $0x1BF5;
	[smem:$0x3FB7] =	sst s0  }
0x18: {  	s0 =	sld [smem:$0x3F9A];
	_ =	swait.ge [sflag:s4], $0x0  }
0x19: {  	s7 =	sld [smem:$0x3F9B]  }
0x1a: {  	s8 =	sadd.s32 $0xFFFFE003, lr  }
0x1b: {  	s9 =	sadd.s32 $0xFFFFFEF7, lr;
	s5 =	simm.s32 $0xFFFFFFFF;
	p2 =	slt.u32 s8, $0xFFFFF086  }
0x1c: {  	p1 =	slt.u32 s9, $0xF7A;
	s5 =	simm.s32 @!p2 $0x0  }
0x1d: {  	s5 =	simm.s32 @p1 $0x1;
	p0 =	seq.s32 s7, s2  }
0x1e: {  	s7 =	smul.u32 @!p0 $0xF7A, s2;
	p2 =	seq.s32 @!p0 s5, $0x0  }
0x1f: {  	s9 =	smul.u32 $0xF7A, s1;
	s8 =	simm.s32 @!p0 $0x1BF5;
	p2 =	por !p2, p0  }
0x20: {  	[sflag:s8] =	ssyncset.s32 @!p0 $0xFFFFF086;
	s6 =	sadd.s32 @!p0 s3, s7;
	s7 =	simm.s32 @!p0 $0x108  }
0x21: {  	s3 =	sadd.s32 s3, s9;
	s6 =	sadd.s32 @!p0 $0x88, s6;
	s7 =	simm.s32 @p2 $0x1082  }
0x22: {  	[simem:s7], [sflag:s8] =	dma.local @!p0 [hbm:s6], $0xF7A  }
0x23: {  	s9 =	sor.u32 $0xD0000000, s2;
	s6 =	simm.s32 $0x108;
	_ =	swait.ge @!p0 [sflag:s8], $0x0  }
0x24: {  	s3 =	sadd.s32 $0x88, s3;
	s6 =	simm.s32 @!p1 $0x1082;
	[sflag:s4] =	ssyncset.s32 $0xFFFFF086  }
0x25: {  	[simem:s6], [sflag:s4] =	dma.local [hbm:s3], $0xF7A  }
0x26: {  	[smem:$0x3F9B] =	sst s1;
	(tag) =	ssettag s2;
	_ =	strace s9  }
0x27: {  	s1 =	sld [smem:$0x3FAB]  }
0x28: {  	s2 =	sld [smem:$0x3FAC]  }
0x29: {  	s4 =	sld [smem:$0x3FAE]  }
0x2a: {  	p0 =	seq.s32 s5, $0x0;
	s5 =	sld [smem:$0x3FAF]  }
0x2b: {  	s6 =	sld [smem:$0x3FB0]  }
0x2c: {  	s7 =	sld [smem:$0x3FB1]  }
0x2d: {  	s3 =	simm.s32 $0x108;
	s8 =	sld [smem:$0x3FB2]  }
0x2e: {  	s3 =	simm.s32 @!p0 $0x1082;
	s9 =	sld [smem:$0x3FB3]  }
0x2f: {  	lr =	sadd.s32 s0, s3;
	s0 =	sld [smem:$0x3FAA]  }
0x30: {  	s3 =	sld [smem:$0x3FAD]  }
0x31: {  	[smem:$0x3FB6] =	sst s10  }
0x32: {  	s10 =	sld [smem:$0x3FB4];
	_ =	sdelay $0x3  }
0x33: {  	p0 =	seq.s32 s10, $0x1;
	s10 =	sld [smem:$0x3FB6];
	_ =	sdelay $0x3  }
0x34: {  	[smem:$0x3FB6] =	sst s10  }
0x35: {  	s10 =	sld [smem:$0x3FB5];
	_ =	sdelay $0x3  }
0x36: {  	p1 =	seq.s32 s10, $0x1;
	s10 =	sld [smem:$0x3FB6];
	_ =	sdelay $0x3  }
0x37: {  	[smem:$0x3FB6] =	sst s10  }
0x38: {  	s10 =	sld [smem:$0x3FB7]  }
0x39: {  	_ = 	snop;
	(pc) =	sbr.ind lr, $3  }
0x3a: {  	_ = 	snop  }
0x3b: {  	_ = 	snop  }
0x3c: {  	p2 =	seq.s32 s10, $0x1;
	s10 =	sld [smem:$0x3FB6]  }
0x3d: {  	_ =	shalt  }
0x3e: {  	_ =	shalt  }
0x3f: {  	_ =	shalt  }
0x40: {  	_ =	shalt  }
0x41: {  	_ =	shalt  }
0x42: {  	_ =	shalt  }
0x43: {  	_ =	shalt  }
0x44: {  	_ =	shalt  }
0x45: {  	_ =	shalt  }
0x46: {  	_ =	shalt  }
0x47: {  	_ =	shalt  }
0x48: {  	_ =	shalt  }
0x49: {  	_ =	shalt  }
0x4a: {  	_ =	shalt  }
0x4b: {  	_ =	shalt  }
0x4c: {  	_ =	shalt  }
0x4d: {  	_ =	shalt  }
0x4e: {  	_ =	shalt  }
0x4f: {  	_ =	shalt  }
0x50: {  	_ =	shalt  }
0x51: {  	_ =	shalt  }
0x52: {  	_ =	shalt  }
0x53: {  	_ =	shalt  }
0x54: {  	_ =	shalt  }
0x55: {  	_ =	shalt  }
0x56: {  	_ =	shalt  }
0x57: {  	_ =	shalt  }
0x58: {  	_ =	shalt  }
0x59: {  	_ =	shalt  }
0x5a: {  	_ =	shalt  }
0x5b: {  	_ =	shalt  }
0x5c: {  	_ =	shalt  }
0x5d: {  	_ =	shalt  }
0x5e: {  	_ =	shalt  }
0x5f: {  	_ =	shalt  }
0x60: {  	_ =	shalt  }
0x61: {  	_ =	shalt  }
0x62: {  	_ =	shalt  }
0x63: {  	_ =	shalt  }
0x64: {  	_ =	shalt  }
0x65: {  	_ =	shalt  }
0x66: {  	_ =	shalt  }
0x67: {  	_ =	shalt  }
0x68: {  	_ =	shalt  }
0x69: {  	_ =	shalt  }
0x6a: {  	_ =	shalt  }
0x6b: {  	_ =	shalt  }
0x6c: {  	_ =	shalt  }
0x6d: {  	_ =	shalt  }
0x6e: {  	_ =	shalt  }
0x6f: {  	_ =	shalt  }
0x70: {  	_ =	shalt  }
0x71: {  	_ =	shalt  }
0x72: {  	_ =	shalt  }
0x73: {  	_ =	shalt  }
0x74: {  	_ =	shalt  }
0x75: {  	_ =	shalt  }
0x76: {  	_ =	shalt  }
0x77: {  	_ =	shalt  }
0x78: {  	_ =	shalt  }
0x79: {  	_ =	shalt  }
0x7a: {  	_ =	shalt  }
0x7b: {  	_ =	shalt  }
0x7c: {  	_ =	shalt  }
0x7d: {  	_ =	shalt  }
0x7e: {  	_ =	shalt  }
0x7f: {  	_ =	shalt  }
0x80: {  	_ =	shalt  }
0x81: {  	_ =	shalt  }
0x82: {  	_ =	shalt  }
0x83: {  	_ =	shalt  }
0x84: {  	_ =	shalt  }
0x85: {  	_ =	shalt  }
0x86: {  	_ =	shalt  }
0x87: {  	_ =	shalt  }
.Lfunc_end0:
.L_simem_size_0:
called_computation.2_lowered:
.L_overlay_start_0:
0x88: {  	s2 =	sld [smem:$0x3FD9]  }
0x89: {  	s3 =	sld [smem:$0x3FFE];
	_ =	sdelay $0x1  }
0x8a: {  	s1 =	srdreg.scid  }
0x8b: {  	s0 =	sand.u32 $0x1, s1  }
0x8c: {  	s17 =	sshll.u32 s0, $0xA;
	s2 =	sadd.s32 s3, s2  }
0x8d: {  	s2 =	sadd.s32 s2, s17  }
0x8e: {  	[smem:$0x3FC2] =	sst s2  }
0x8f: {  	_ = 	snop  }
0x90: {  	s2 =	sld [smem:$0x3FD0];
	(tm) =	ssettm $0x1  }
0x91: {  	s18 =	sld [smem:$0x3FFB];
	_ =	sdelay $0x3  }
0x92: {  	_ =	strace s18  }
0x93: {  	s3 =	sld [smem:$0x3FFC];
	_ =	sdelay $0x3  }
0x94: {  	_ =	strace s3  }
0x95: {  	s3 =	sld [smem:$0x3FFD];
	_ =	sdelay $0x3  }
0x96: {  	_ =	strace s3  }
0x97: {  	_ =	strace $0x8FFFFFFF  }
0x98: {  	s19 =	sld [smem:$0x3FDB];
	_ =	sdelay $0x1  }
0x99: {  	s4 =	simm.s32 $_scs_section_size  }
0x9a: {  	s5 =	simm.s32 $_size__tile_overlayer_lowered;
	s6 =	simm.s32 $_tile_overlayer_lowered  }
0x9b: {  	s22 =	simm.s32 $0x1BFF;
	s21 =	sshll.u32 s6, $0x1;
	s3 =	sadd.s32 s4, s19  }
0x9c: {  	s7 =	simm.s32 $0x0;
	s20 =	sshll.u32 s5, $0x1;
	s5 =	sadd.s32 s21, s3  }
0x9d: {  	[timem:s7], [sflag:s22] =	dma.local [hbm:s5], s20  }
0x9e: {  	_ =	swait.ge [sflag:s22], s20  }
0x9f: {  	s4 =	ssub.s32 $0x0, s20;
	[sflag:s22] =	ssyncset.done $0x0  }
0xa0: {  	[sflag:s22] =	ssyncadd.s32 s4;
	_ =	sdelay $0x1  }
0xa1: {  	s23 =	simm.s32 $0x1B8B  }
0xa2: {  	_ =	swait.ge [sflag:s23], $0x1  }
0xa3: {  	[sflag:s23] =	ssyncset.done $0x0  }
0xa4: {  	s25 =	simm.s32 $0x1B8E;
	s24 =	sld [smem:$0x3FFE];
	[sflag:s23] =	ssyncadd.s32 $0xFFFFFFFF  }
0xa5: {  	s26 =	simm.s32 $execute0_lowered;
	[smem:$0x3FD2] =	sst s25  }
0xa6: {  	s5 =	sshll.u32 s26, $0x1;
	_ =	strace $0x8000004C;
	[dreg:$0x1] =	wrdreg $0xFFFFFFFF  }
0xa7: {  	s28 =	simm.s32 $_size_execute0_lowered;
	s3 =	sadd.s32 s3, s5;
	[dreg:$0x0] =	wrdreg $0x0  }
0xa8: {  	s5 =	sshll.u32 s28, $0x1;
	[dreg:$0x2] =	wrdreg s3  }
0xa9: {  	[dreg:$0x3] =	wrdreg s5  }
0xaa: {  	[dreg:$0x4] =	wrdreg $0xC0  }
0xab: {  	_ =	task [dreg:s7], $0x5FFFF  }
0xac: {  	[dreg:$0x1] =	wrdreg $0xFFFFFFFF  }
0xad: {  	[dreg:$0x0] =	wrdreg $0x60  }
0xae: {  	[dreg:$0x2] =	wrdreg s24  }
0xaf: {  	[dreg:$0x3] =	wrdreg s2  }
0xb0: {  	[dreg:$0x4] =	wrdreg $0x90000  }
0xb1: {  	[dreg:$0x5] =	wrdreg $0x9  }
0xb2: {  	_ =	task.clear_ibuf [dreg:s7], $0x6FFFF;
	_ =	strace $0x9000004C  }
0xb3: {  	s29 =	simm.s32 $0x9;
	_ =	strace $0x8000004E  }
0xb4: {  	_ =	swait.ge [sflag:s29], $0x1  }
0xb5: {  	[sflag:s29] =	ssyncadd.s32 $0xFFFFFFFF  }
0xb6: {  	_ =	strace $0x9000004E  }
0xb7: {  	_ =	sfence  }
0xb8: {  	s30 =	sld [smem:$0x0];
	_ =	sdelay $0x2  }
0xb9: {  	s31 =	sshll.u32 s1, $0xD;
	s1 =	sshrl.u32 s1, $0x2  }
0xba: {  	s3 =	sand.u32 $0x4000, s31;
	s1 =	sadd.s32 s1, s30  }
0xbb: {  	s0 =	sor.u32 s3, s0;
	s1 =	sshll.u32 s1, $0x11  }
0xbc: {  	s0 =	sor.u32 s1, s0  }
0xbd: {  	s0 =	sadd.s32 $0x8F2B, s0  }
0xbe: {  	[sflag:s0] =	ssyncadd.remote.s32 $0x1  }
0xbf: {  	_ =	sfence.sel $0xFFFF  }
0xc0: {  	[dreg:$0x0] =	wrdreg $0xFFFFFFFF;
	(pc) =	sbr.abs _section_cstart, $3  }
0xc1: {  	[dreg:$0x1] =	wrdreg $0xFFFFFFFF  }
0xc2: {  	_ =	task.clear_ibuf [dreg:s7], $0x2FFFF;
	_ =	strace $0x9FFFFFFF  }
0xc3: {  	(tm) =	ssettm $0x7FFFFFFF  }
tec
execute0_lowered:
.L_overlay_start_1:
0x0: {  	(tag) =	ssettag $0x1  }
0x1: {  	s5 =	rddreg [dreg:$0x0]  }
0x2: {  	s0 =	srdreg.scid;
	s6 =	rddreg [dreg:$0x1]  }
0x3: {  	s2 =	rddreg [dreg:$0x2];
	s1 =	stileid.u32  }
0x4: {  	s3 =	simm.s32 $0x0;
	s20 =	simm.s32 $0x5000;
	s21 =	simm.s32 $0x80  }
0x5: {  	s22 =	simm.s32 $0x1;
	s8 =	sand.u32 $0x1, s0;
	s0 =	rddreg [dreg:$0x3]  }
0x6: {  	s23 =	simm.s32 $0x0;
	[smem:$0x7FF] =	sst s3;
	s11 =	smul.u32 $0x50000, s1  }
0x7: {  	s16 =	sadd.s32 $0x34A00, s5;
	s12 =	smul.u32 $0x14000, s1;
	s4 =	sshll.u32 s8, $0x4  }
0x8: {  	_ =	strace $0x8000004D;
	s10 =	ssub.s32 $0x2, s8;
	s18 =	smul.u32 $0x140000, s8  }
0x9: {  	s4 =	sor.u32 s1, s4;
	s29 =	sshrl.u32 s10, $0x1;
	s30 =	sshrl.u32 s11, $0x2  }
0xa: {  	s31 =	sadd.s32 $0x4000, s12;
	s14 =	sadd.s32 $0x8000, s12;
	s15 =	sadd.s32 $0xC000, s12  }
0xb: {  	s19 =	sadd.s32 $0x10000, s12;
	s7 =	smul.u32 $0x500, s4;
	s4 =	sadd.s32 $0xCA00, s5  }
0xc: {  	s17 =	ssub.s32 s10, s29;
	s8 =	sadd.s32 s31, s2;
	s10 =	sadd.s32 s15, s2  }
0xd: {  	s12 =	sadd.s32 s12, s18;
	s13 =	sadd.s32 s18, s31;
	s11 =	sadd.s32 s19, s2  }
0xe: {  	s15 =	sadd.s32 s18, s15;
	s12 =	sshrl.u32 s12, $0x3;
	s13 =	sshrl.u32 s13, $0x3  }
0xf: {  	s15 =	sshrl.u32 s15, $0x3;
	s17 =	smax.u32 s17, $0x1;
	s9 =	sadd.s32 s7, s5  }
0x10: {  	s5 =	sadd.s32 s6, s7;
	s7 =	sadd.s32 s30, s2;
	s12 =	sadd.s32 s16, s12  }
0x11: {  	s13 =	sadd.s32 s16, s13;
	s15 =	sadd.s32 s16, s15;
	s6 =	sadd.s32 $0x2A00, s9  }
0x12: {  	s9 =	sadd.s32 s14, s2;
	s14 =	sadd.s32 s18, s14;
	s18 =	sadd.s32 s18, s19  }
0x13: {  	s19 =	simm.s32 $0x2800;
	s14 =	sshrl.u32 s14, $0x3;
	s18 =	sshrl.u32 s18, $0x3  }
0x14: {  	v0 =	vimm.f32 $0.0e+00;
	s14 =	sadd.s32 s16, s14;
	s16 =	sadd.s32 s16, s18;
	s18 =	simm.s32 $0x2  }
.LBB2_1:
0x15: {  	[tilespmem:s3], [sflag:$0x2] =	stream.linear.gather [hbm4b:s5+s3], $0x2800, $0x38;
	[tilespmem:$0x1D000] =	vst v63  }
0x16: {  	_ =	swait.ge [sflag:s18], $0x2800  }
0x17: {  	[sflag:s18] =	ssyncset.done $0x0  }
0x18: {  	[sflag:s18] =	ssyncadd.s32 $0xFFFFD800  }
0x19: {  	[tilespmem:s19], [sflag:$0x2] =	stream.linear.gather [hbm4b:s6+s3], $0x2800, $0x38;
	[tilespmem:$0x1D000] =	vst v63  }
0x1a: {  	_ =	swait.ge [sflag:s18], $0x2800  }
0x1b: {  	[sflag:s18] =	ssyncset.done $0x0  }
0x1c: {  	s24 =	simm.s32 $0x0;
	s25 =	simm.s32 $0x200;
	[sflag:s18] =	ssyncadd.s32 $0xFFFFD800  }
.LBB2_2:
0x1d: {  	p0 =	sne.s32 s25, $0xFE00;
	[tilespmem:s24+$0x5070] =	vst v0  }
0x1e: {  	[tilespmem:s24+$0x5000] =	vst v0  }
0x1f: {  	[tilespmem:s24+$0x5010] =	vst v0  }
.Ltmp0:
0x20: {  	[tilespmem:s24+$0x5020] =	vst v0;
	(pc) =	sbr.rel @p0 .LBB2_2-.Ltmp0, $4  }
0x21: {  	[tilespmem:s24+$0x5030] =	vst v0  }
0x22: {  	[tilespmem:s24+$0x5040] =	vst v0  }
0x23: {  	[tilespmem:s24+$0x5050] =	vst v0  }
0x24: {  	[tilespmem:s24+$0x5060] =	vst v0;
	s24 =	sshra.s32 s25, $0x2;
	s25 =	sadd.s32 $0x200, s25  }
0x25: {  	[tilespmem:s24+$0x5070] =	vst v0  }
0x26: {  	[tilespmem:s24+$0x5000] =	vst v0  }
0x27: {  	[tilespmem:s24+$0x5010] =	vst v0  }
0x28: {  	[tilespmem:s24+$0x5020] =	vst v0  }
0x29: {  	[tilespmem:s24+$0x5030] =	vst v0  }
0x2a: {  	[tilespmem:s24+$0x5040] =	vst v0  }
0x2b: {  	[tilespmem:s24+$0x5050] =	vst v0  }
0x2c: {  	[tilespmem:s24+$0x5060] =	vst v0  }
0x2d: {  	[spmem:s7] =	stream.linear.scatter [tilespmem:s20], [sflag:$0x2], $0x4000, $0x38;
	[tilespmem:$0x1D000] =	vst v63  }
0x2e: {  	_ =	swait.ge [sflag:s18], $0x4000  }
0x2f: {  	[sflag:s18] =	ssyncset.done $0x0  }
0x30: {  	[sflag:s18] =	ssyncadd.s32 $0xFFFFC000  }
0x31: {  	[spmem:s8] =	stream.linear.scatter [tilespmem:s20], [sflag:$0x2], $0x4000, $0x38;
	[tilespmem:$0x1D000] =	vst v63  }
0x32: {  	_ =	swait.ge [sflag:s18], $0x4000  }
0x33: {  	[sflag:s18] =	ssyncset.done $0x0  }
0x34: {  	[sflag:s18] =	ssyncadd.s32 $0xFFFFC000  }
0x35: {  	[spmem:s9] =	stream.linear.scatter [tilespmem:s20], [sflag:$0x2], $0x4000, $0x38;
	[tilespmem:$0x1D000] =	vst v63  }
0x36: {  	_ =	swait.ge [sflag:s18], $0x4000  }
0x37: {  	[sflag:s18] =	ssyncset.done $0x0  }
0x38: {  	[sflag:s18] =	ssyncadd.s32 $0xFFFFC000  }
0x39: {  	[spmem:s10] =	stream.linear.scatter [tilespmem:s20], [sflag:$0x2], $0x4000, $0x38;
	[tilespmem:$0x1D000] =	vst v63  }
0x3a: {  	_ =	swait.ge [sflag:s18], $0x4000  }
0x3b: {  	[sflag:s18] =	ssyncset.done $0x0  }
0x3c: {  	[sflag:s18] =	ssyncadd.s32 $0xFFFFC000  }
0x3d: {  	[spmem:s11] =	stream.linear.scatter [tilespmem:s20], [sflag:$0x2], $0x4000, $0x38;
	[tilespmem:$0x1D000] =	vst v63  }
0x3e: {  	_ =	swait.ge [sflag:s18], $0x4000  }
0x3f: {  	[sflag:s18] =	ssyncset.done $0x0  }
0x40: {  	[sflag:s18] =	ssyncadd.s32 $0xFFFFC000  }
0x41: {  	s30 =	simm.s32 $0x0;
	[bflag:$0x0] =	sbarrier.arrive $0xFFFF  }
0x42: {  	[tilespmem:s20], [sflag:$0x1] =	stream.indirect.gather [hbm4b:s4+s21], $0x80, s30, s21, $0xb8;
	[tilespmem:$0x1D000] =	vst v63  }
0x43: {  	_ =	swait.ge [sflag:s22], $0x4000  }
0x44: {  	[sflag:s22] =	ssyncset.done $0x0  }
0x45: {  	s31 =	simm.s32 $0x2800;
	[sflag:s22] =	ssyncadd.s32 $0xFFFFC000  }
0x46: {  	[spmem:s2] =	stream.indirect.scatter.add.f32 [tilespmem:s20], [sflag:$0x2], $0x80, s31, s21, $0xb8;
	[tilespmem:$0x1D000] =	vst v63  }
0x47: {  	_ =	swait.ge [sflag:s18], $0x4000  }
0x48: {  	s24 =	simm.s32 $0x200;
	s25 =	simm.s32 $0x400;
	[sflag:s18] =	ssyncset.done $0x0  }
.LBB2_4:
0x49: {  	s26 =	sshra.s32 s24, $0x2  }
0x4a: {  	[sflag:s18] =	ssyncadd.s32 $0xFFFFC000;
	s24 =	smov.u32 s25;
	s28 =	sadd.s32 $0x200, s25  }
0x4b: {  	[tilespmem:s20], [sflag:$0x1] =	stream.indirect.gather [hbm4b:s4+s21], $0x80, s26, s21, $0xb8;
	[tilespmem:$0x1D000] =	vst v63  }
0x4c: {  	p0 =	sne.s32 s25, $0x9E00;
	_ =	swait.ge [sflag:s22], $0x4000  }
.Ltmp1:
0x4d: {  	[sflag:s22] =	ssyncset.done $0x0;
	(pc) =	sbr.rel @p0 .LBB2_4-.Ltmp1, $4  }
0x4e: {  	s25 =	sadd.s32 $0x2800, s26;
	[sflag:s22] =	ssyncadd.s32 $0xFFFFC000  }
0x4f: {  	[spmem:s2] =	stream.indirect.scatter.add.f32 [tilespmem:s20], [sflag:$0x2], $0x80, s25, s21, $0xb8;
	[tilespmem:$0x1D000] =	vst v63  }
0x50: {  	_ =	swait.ge [sflag:s18], $0x4000  }
0x51: {  	s25 =	smov.u32 s28;
	[sflag:s18] =	ssyncset.done $0x0  }
0x52: {  	s24 =	sshra.s32 s24, $0x2;
	[sflag:s18] =	ssyncadd.s32 $0xFFFFC000  }
0x53: {  	[tilespmem:s20], [sflag:$0x1] =	stream.indirect.gather [hbm4b:s4+s21], $0x80, s24, s21, $0xb8;
	[tilespmem:$0x1D000] =	vst v63  }
0x54: {  	_ =	swait.ge [sflag:s22], $0x4000  }
0x55: {  	[sflag:s22] =	ssyncset.done $0x0  }
0x56: {  	s24 =	sadd.s32 $0x2800, s24;
	[sflag:s22] =	ssyncadd.s32 $0xFFFFC000  }
0x57: {  	[spmem:s2] =	stream.indirect.scatter.add.f32 [tilespmem:s20], [sflag:$0x2], $0x80, s24, s21, $0xb8;
	[tilespmem:$0x1D000] =	vst v63  }
0x58: {  	_ =	swait.ge [sflag:s18], $0x4000  }
0x59: {  	[sflag:s18] =	ssyncset.done $0x0  }
0x5a: {  	s26 =	sshll.u32 s1, $0x6;
	[sflag:s18] =	ssyncadd.s32 $0xFFFFC000  }
0x5b: {  	s25 =	sshrl.u32 s7, $0x3;
	s24 =	sor.u32 $0x1C02, s26;
	[bflag:$0x0] =	sbarrier.arrive $0xFFFF  }
0x5c: {  	[hbm:s12], [sflag:s24] =	dma.local [spmem:s25], $0x800  }
0x5d: {  	_ =	swait.ge [sflag:s18], $0x800  }
0x5e: {  	[sflag:s18] =	ssyncset.done $0x0  }
0x5f: {  	s28 =	sshrl.u32 s8, $0x3;
	[sflag:s18] =	ssyncadd.s32 $0xFFFFF800  }
0x60: {  	[hbm:s13], [sflag:s24] =	dma.local [spmem:s28], $0x800  }
0x61: {  	_ =	swait.ge [sflag:s18], $0x800  }
0x62: {  	[sflag:s18] =	ssyncset.done $0x0  }
0x63: {  	s29 =	sshrl.u32 s9, $0x3;
	[sflag:s18] =	ssyncadd.s32 $0xFFFFF800  }
0x64: {  	[hbm:s14], [sflag:s24] =	dma.local [spmem:s29], $0x800  }
0x65: {  	_ =	swait.ge [sflag:s18], $0x800  }
0x66: {  	[sflag:s18] =	ssyncset.done $0x0  }
0x67: {  	s30 =	sshrl.u32 s10, $0x3;
	[sflag:s18] =	ssyncadd.s32 $0xFFFFF800  }
0x68: {  	[hbm:s15], [sflag:s24] =	dma.local [spmem:s30], $0x800  }
0x69: {  	s23 =	sadd.s32 $0x1, s23;
	_ =	swait.ge [sflag:s18], $0x800  }
0x6a: {  	p0 =	sne.s32 s23, s17;
	[sflag:s18] =	ssyncset.done $0x0  }
.Ltmp2:
0x6b: {  	s31 =	sshrl.u32 s11, $0x3;
	[sflag:s18] =	ssyncadd.s32 $0xFFFFF800;
	(pc) =	sbr.rel @p0 .LBB2_1-.Ltmp2, $4  }
0x6c: {  	[hbm:s16], [sflag:s24] =	dma.local [spmem:s31], $0x800  }
0x6d: {  	_ =	swait.ge [sflag:s18], $0x800  }
0x6e: {  	[sflag:s18] =	ssyncset.done $0x0  }
0x6f: {  	[sflag:s18] =	ssyncadd.s32 $0xFFFFF800  }
0x70: {  	_ =	sfence.sel $0x180000  }
0x71: {  	[bflag:$0x0] =	sbarrier.arrive $0xFFFF  }
0x72: {  	p0 =	sne.s32 s1, $0x0;
	_ =	strace $0x9000004D  }
0x73: {  	s0 =	sadd.s32 @!p0 $0x100000, s0;
	[bflag:$0x2] =	sbarrier.arrive $0xFFFF  }
0x74: {  	[sflag:s0] =	ssyncadd.tile.s32 @!p0 $0x1;
	_ =	shalt  }
.Lfunc_end2:
_tile_overlayer_lowered:
.L_overlay_start_2:
0x75: {  	(tag) =	ssettag $0x2  }
0x76: {  	s0 =	rddreg [dreg:$0x0];
	s2 =	stileid.u32  }
0x77: {  	s1 =	rddreg [dreg:$0x1];
	p0 =	sne.s32 s2, $0x0  }
0x78: {  	s3 =	rddreg [dreg:$0x2];
	[bflag:$0x3] =	sbarrier.arrive $0xFFFF;
	s2 =	simm.s32 @!p0 $0x1C02  }
0x79: {  	[timem:s3], [sflag:s2] =	dma.local @!p0 [hbm:s0], s1  }
0x7a: {  	s0 =	simm.s32 @!p0 $0x2  }
0x7b: {  	_ =	swait.ge @!p0 [sflag:s0], s1  }
0x7c: {  	s1 =	ssub.s32 @!p0 $0x0, s1;
	[sflag:s0] =	ssyncset.done @!p0 $0x0  }
0x7d: {  	[sflag:s0] =	ssyncadd.s32 @!p0 s1  }
0x7e: {  	[bflag:$0x3] =	sbarrier.arrive $0xFFFF  }
0x7f: {  	_ =	shalt  }

// kernel: kernel.9.cloned.1.call-start
scs
__scs_entry_jumppad:
0x0: {  	(pc) =	sbr.rel $0x88, $3  }
0x1: {  	(tag) =	ssettag $0x0;
	lr =	simm.s32 $0x1  }
0x2: {  	[smem:$0x3F9B] =	sst lr;
	_ =	strace $0xD0000000  }
0x3: {  	_ = 	snop  }
0x4: {  	_ = 	snop  }
0x5: {  	_ = 	snop  }
0x6: {  	_ = 	snop  }
0x7: {  	_ = 	snop  }
__scs_overlays_trampoline_lowered:
0x8: {  	[smem:$0x3FAA] =	sst s0  }
0x9: {  	[smem:$0x3FAB] =	sst s1  }
0xa: {  	[smem:$0x3FAC] =	sst s2  }
0xb: {  	[smem:$0x3FAD] =	sst s3  }
0xc: {  	[smem:$0x3FAE] =	sst s4  }
0xd: {  	[smem:$0x3FAF] =	sst s5  }
0xe: {  	[smem:$0x3FB0] =	sst s6  }
0xf: {  	[smem:$0x3FB1] =	sst s7  }
0x10: {  	[smem:$0x3FB2] =	sst s8  }
0x11: {  	[smem:$0x3FB3] =	sst s9;
	s0 =	simm.s32 @!p0 $0x0  }
0x12: {  	s1 =	sld [smem:$0x3F99];
	s0 =	simm.s32 @p0 $0x1  }
0x13: {  	[smem:$0x3FB4] =	sst s0;
	s0 =	simm.s32 @!p1 $0x0  }
0x14: {  	s2 =	sld [smem:$0x3F98];
	s0 =	simm.s32 @p1 $0x1  }
0x15: {  	[smem:$0x3FB5] =	sst s0;
	s0 =	simm.s32 @!p2 $0x0  }
0x16: {  	s3 =	sld [smem:$0x3FDB];
	s0 =	simm.s32 @p2 $0x1  }
0x17: {  	s4 =	simm.s32 $0x1BF5;
	[smem:$0x3FB7] =	sst s0  }
0x18: {  	s0 =	sld [smem:$0x3F9A];
	_ =	swait.ge [sflag:s4], $0x0  }
0x19: {  	s7 =	sld [smem:$0x3F9B]  }
0x1a: {  	s8 =	sadd.s32 $0xFFFFE003, lr  }
0x1b: {  	s9 =	sadd.s32 $0xFFFFFEF7, lr;
	s5 =	simm.s32 $0xFFFFFFFF;
	p2 =	slt.u32 s8, $0xFFFFF086  }
0x1c: {  	p1 =	slt.u32 s9, $0xF7A;
	s5 =	simm.s32 @!p2 $0x0  }
0x1d: {  	s5 =	simm.s32 @p1 $0x1;
	p0 =	seq.s32 s7, s2  }
0x1e: {  	s7 =	smul.u32 @!p0 $0xF7A, s2;
	p2 =	seq.s32 @!p0 s5, $0x0  }
0x1f: {  	s9 =	smul.u32 $0xF7A, s1;
	s8 =	simm.s32 @!p0 $0x1BF5;
	p2 =	por !p2, p0  }
0x20: {  	[sflag:s8] =	ssyncset.s32 @!p0 $0xFFFFF086;
	s6 =	sadd.s32 @!p0 s3, s7;
	s7 =	simm.s32 @!p0 $0x108  }
0x21: {  	s3 =	sadd.s32 s3, s9;
	s6 =	sadd.s32 @!p0 $0x88, s6;
	s7 =	simm.s32 @p2 $0x1082  }
0x22: {  	[simem:s7], [sflag:s8] =	dma.local @!p0 [hbm:s6], $0xF7A  }
0x23: {  	s9 =	sor.u32 $0xD0000000, s2;
	s6 =	simm.s32 $0x108;
	_ =	swait.ge @!p0 [sflag:s8], $0x0  }
0x24: {  	s3 =	sadd.s32 $0x88, s3;
	s6 =	simm.s32 @!p1 $0x1082;
	[sflag:s4] =	ssyncset.s32 $0xFFFFF086  }
0x25: {  	[simem:s6], [sflag:s4] =	dma.local [hbm:s3], $0xF7A  }
0x26: {  	[smem:$0x3F9B] =	sst s1;
	(tag) =	ssettag s2;
	_ =	strace s9  }
0x27: {  	s1 =	sld [smem:$0x3FAB]  }
0x28: {  	s2 =	sld [smem:$0x3FAC]  }
0x29: {  	s4 =	sld [smem:$0x3FAE]  }
0x2a: {  	p0 =	seq.s32 s5, $0x0;
	s5 =	sld [smem:$0x3FAF]  }
0x2b: {  	s6 =	sld [smem:$0x3FB0]  }
0x2c: {  	s7 =	sld [smem:$0x3FB1]  }
0x2d: {  	s3 =	simm.s32 $0x108;
	s8 =	sld [smem:$0x3FB2]  }
0x2e: {  	s3 =	simm.s32 @!p0 $0x1082;
	s9 =	sld [smem:$0x3FB3]  }
0x2f: {  	lr =	sadd.s32 s0, s3;
	s0 =	sld [smem:$0x3FAA]  }
0x30: {  	s3 =	sld [smem:$0x3FAD]  }
0x31: {  	[smem:$0x3FB6] =	sst s10  }
0x32: {  	s10 =	sld [smem:$0x3FB4];
	_ =	sdelay $0x3  }
0x33: {  	p0 =	seq.s32 s10, $0x1;
	s10 =	sld [smem:$0x3FB6];
	_ =	sdelay $0x3  }
0x34: {  	[smem:$0x3FB6] =	sst s10  }
0x35: {  	s10 =	sld [smem:$0x3FB5];
	_ =	sdelay $0x3  }
0x36: {  	p1 =	seq.s32 s10, $0x1;
	s10 =	sld [smem:$0x3FB6];
	_ =	sdelay $0x3  }
0x37: {  	[smem:$0x3FB6] =	sst s10  }
0x38: {  	s10 =	sld [smem:$0x3FB7]  }
0x39: {  	_ = 	snop;
	(pc) =	sbr.ind lr, $3  }
0x3a: {  	_ = 	snop  }
0x3b: {  	_ = 	snop  }
0x3c: {  	p2 =	seq.s32 s10, $0x1;
	s10 =	sld [smem:$0x3FB6]  }
0x3d: {  	_ =	shalt  }
0x3e: {  	_ =	shalt  }
0x3f: {  	_ =	shalt  }
0x40: {  	_ =	shalt  }
0x41: {  	_ =	shalt  }
0x42: {  	_ =	shalt  }
0x43: {  	_ =	shalt  }
0x44: {  	_ =	shalt  }
0x45: {  	_ =	shalt  }
0x46: {  	_ =	shalt  }
0x47: {  	_ =	shalt  }
0x48: {  	_ =	shalt  }
0x49: {  	_ =	shalt  }
0x4a: {  	_ =	shalt  }
0x4b: {  	_ =	shalt  }
0x4c: {  	_ =	shalt  }
0x4d: {  	_ =	shalt  }
0x4e: {  	_ =	shalt  }
0x4f: {  	_ =	shalt  }
0x50: {  	_ =	shalt  }
0x51: {  	_ =	shalt  }
0x52: {  	_ =	shalt  }
0x53: {  	_ =	shalt  }
0x54: {  	_ =	shalt  }
0x55: {  	_ =	shalt  }
0x56: {  	_ =	shalt  }
0x57: {  	_ =	shalt  }
0x58: {  	_ =	shalt  }
0x59: {  	_ =	shalt  }
0x5a: {  	_ =	shalt  }
0x5b: {  	_ =	shalt  }
0x5c: {  	_ =	shalt  }
0x5d: {  	_ =	shalt  }
0x5e: {  	_ =	shalt  }
0x5f: {  	_ =	shalt  }
0x60: {  	_ =	shalt  }
0x61: {  	_ =	shalt  }
0x62: {  	_ =	shalt  }
0x63: {  	_ =	shalt  }
0x64: {  	_ =	shalt  }
0x65: {  	_ =	shalt  }
0x66: {  	_ =	shalt  }
0x67: {  	_ =	shalt  }
0x68: {  	_ =	shalt  }
0x69: {  	_ =	shalt  }
0x6a: {  	_ =	shalt  }
0x6b: {  	_ =	shalt  }
0x6c: {  	_ =	shalt  }
0x6d: {  	_ =	shalt  }
0x6e: {  	_ =	shalt  }
0x6f: {  	_ =	shalt  }
0x70: {  	_ =	shalt  }
0x71: {  	_ =	shalt  }
0x72: {  	_ =	shalt  }
0x73: {  	_ =	shalt  }
0x74: {  	_ =	shalt  }
0x75: {  	_ =	shalt  }
0x76: {  	_ =	shalt  }
0x77: {  	_ =	shalt  }
0x78: {  	_ =	shalt  }
0x79: {  	_ =	shalt  }
0x7a: {  	_ =	shalt  }
0x7b: {  	_ =	shalt  }
0x7c: {  	_ =	shalt  }
0x7d: {  	_ =	shalt  }
0x7e: {  	_ =	shalt  }
0x7f: {  	_ =	shalt  }
0x80: {  	_ =	shalt  }
0x81: {  	_ =	shalt  }
0x82: {  	_ =	shalt  }
0x83: {  	_ =	shalt  }
0x84: {  	_ =	shalt  }
0x85: {  	_ =	shalt  }
0x86: {  	_ =	shalt  }
0x87: {  	_ =	shalt  }
.Lfunc_end0:
.L_simem_size_0:
called_computation_lowered:
.L_overlay_start_0:
0x88: {  	s2 =	sld [smem:$0x3FD9]  }
0x89: {  	s3 =	sld [smem:$0x3FFE];
	_ =	sdelay $0x1  }
0x8a: {  	s1 =	srdreg.scid  }
0x8b: {  	s0 =	sand.u32 $0x1, s1  }
0x8c: {  	s16 =	sshll.u32 s0, $0xA;
	s2 =	sadd.s32 s3, s2  }
0x8d: {  	s2 =	sadd.s32 s2, s16  }
0x8e: {  	[smem:$0x3FC2] =	sst s2  }
0x8f: {  	_ = 	snop  }
0x90: {  	(tm) =	ssettm $0x1  }
0x91: {  	s17 =	sld [smem:$0x3FFB];
	_ =	sdelay $0x3  }
0x92: {  	_ =	strace s17  }
0x93: {  	s2 =	sld [smem:$0x3FFC];
	_ =	sdelay $0x3  }
0x94: {  	_ =	strace s2  }
0x95: {  	s2 =	sld [smem:$0x3FFD];
	_ =	sdelay $0x3  }
0x96: {  	_ =	strace s2  }
0x97: {  	_ =	strace $0x8FFFFFFF  }
0x98: {  	s18 =	sld [smem:$0x3FDB];
	_ =	sdelay $0x1  }
0x99: {  	s19 =	simm.s32 $_scs_section_size  }
0x9a: {  	s4 =	simm.s32 $_size__tile_overlayer_lowered;
	s5 =	simm.s32 $_tile_overlayer_lowered  }
0x9b: {  	s22 =	simm.s32 $0x1BFF;
	s21 =	sshll.u32 s5, $0x1;
	s2 =	sadd.s32 s19, s18  }
0x9c: {  	s6 =	simm.s32 $0x0;
	s20 =	sshll.u32 s4, $0x1;
	s4 =	sadd.s32 s21, s2  }
0x9d: {  	[timem:s6], [sflag:s22] =	dma.local [hbm:s4], s20  }
0x9e: {  	_ =	swait.ge [sflag:s22], s20  }
0x9f: {  	s3 =	ssub.s32 $0x0, s20;
	[sflag:s22] =	ssyncset.done $0x0  }
0xa0: {  	[sflag:s22] =	ssyncadd.s32 s3;
	_ =	sdelay $0x1  }
0xa1: {  	s23 =	simm.s32 $0x1B8B  }
0xa2: {  	_ =	swait.ge [sflag:s23], $0x1  }
0xa3: {  	[sflag:s23] =	ssyncset.done $0x0  }
0xa4: {  	s25 =	simm.s32 $0x1B8E;
	s24 =	sld [smem:$0x3FFE];
	[sflag:s23] =	ssyncadd.s32 $0xFFFFFFFF  }
0xa5: {  	s26 =	simm.s32 $execute0_lowered;
	[smem:$0x3FD2] =	sst s25  }
0xa6: {  	s4 =	sshll.u32 s26, $0x1;
	_ =	strace $0x80000046;
	[dreg:$0x1] =	wrdreg $0xFFFFFFFF  }
0xa7: {  	s28 =	simm.s32 $_size_execute0_lowered;
	s2 =	sadd.s32 s2, s4;
	[dreg:$0x0] =	wrdreg $0x0  }
0xa8: {  	s4 =	sshll.u32 s28, $0x1;
	[dreg:$0x2] =	wrdreg s2  }
0xa9: {  	[dreg:$0x3] =	wrdreg s4  }
0xaa: {  	[dreg:$0x4] =	wrdreg $0xC0  }
0xab: {  	_ =	task [dreg:s6], $0x5FFFF  }
0xac: {  	[dreg:$0x1] =	wrdreg $0xFFFFFFFF  }
0xad: {  	[dreg:$0x0] =	wrdreg $0x60  }
0xae: {  	[dreg:$0x2] =	wrdreg s24  }
0xaf: {  	[dreg:$0x3] =	wrdreg $0x9  }
0xb0: {  	_ =	task.clear_ibuf [dreg:s6], $0x4FFFF;
	_ =	strace $0x90000046  }
0xb1: {  	s29 =	simm.s32 $0x9;
	_ =	strace $0x80000048  }
0xb2: {  	_ =	swait.ge [sflag:s29], $0x1  }
0xb3: {  	[sflag:s29] =	ssyncadd.s32 $0xFFFFFFFF  }
0xb4: {  	_ =	strace $0x90000048  }
0xb5: {  	_ =	sfence  }
0xb6: {  	s30 =	sld [smem:$0x0];
	_ =	sdelay $0x2  }
0xb7: {  	s31 =	sshll.u32 s1, $0xD;
	s1 =	sshrl.u32 s1, $0x2  }
0xb8: {  	s3 =	sand.u32 $0x4000, s31;
	s1 =	sadd.s32 s1, s30  }
0xb9: {  	s0 =	sor.u32 s3, s0;
	s1 =	sshll.u32 s1, $0x11  }
0xba: {  	s0 =	sor.u32 s1, s0  }
0xbb: {  	s0 =	sadd.s32 $0x8F2B, s0  }
0xbc: {  	[sflag:s0] =	ssyncadd.remote.s32 $0x1  }
0xbd: {  	_ =	sfence.sel $0xFFFF  }
0xbe: {  	[dreg:$0x0] =	wrdreg $0xFFFFFFFF;
	(pc) =	sbr.abs _section_cstart, $3  }
0xbf: {  	[dreg:$0x1] =	wrdreg $0xFFFFFFFF  }
0xc0: {  	_ =	task.clear_ibuf [dreg:s6], $0x2FFFF;
	_ =	strace $0x9FFFFFFF  }
0xc1: {  	(tm) =	ssettm $0x7FFFFFFF  }
tec
execute0_lowered:
.L_overlay_start_1:
0x0: {  	(tag) =	ssettag $0x1  }
0x1: {  	s0 =	srdreg.scid  }
0x2: {  	s5 =	rddreg [dreg:$0x0];
	s3 =	sand.u32 $0x1, s0  }
0x3: {  	s2 =	simm.s32 $0x0;
	s0 =	stileid.u32;
	s1 =	sshll.u32 s3, $0x4  }
0x4: {  	s8 =	simm.s32 $0x80;
	s9 =	simm.s32 $0x400;
	s4 =	sor.u32 s0, s1  }
0x5: {  	s10 =	simm.s32 $0x0;
	[smem:$0x7FF] =	sst s2;
	s1 =	sshrl.u32 s4, $0x3  }
0x6: {  	s7 =	sshll.u32 s0, $0x7;
	s3 =	ssub.s32 $0x2, s3;
	s6 =	smul.u32 $0x14000, s1  }
0x7: {  	s7 =	sand.u32 $0x380, s7;
	s31 =	sshrl.u32 s3, $0x1;
	s4 =	smul.u32 $0x2800, s4  }
0x8: {  	s1 =	rddreg [dreg:$0x1];
	_ =	strace $0x80000047;
	s6 =	sor.u32 s7, s6  }
0x9: {  	s4 =	sadd.s32 s4, s5;
	s7 =	simm.s32 $0x14000;
	s6 =	sshrl.u32 s6, $0x3  }
0xa: {  	s5 =	sadd.s32 s6, s5;
	s6 =	ssub.s32 s3, s31;
	s3 =	sadd.s32 $0xCA00, s4  }
0xb: {  	v0 =	vimm.f32 $0.0e+00;
	v1 =	vimm.f32 $1.000000000e+00;
	s4 =	sadd.s32 $0x5CA00, s5;
	s5 =	smax.u32 s6, $0x1;
	s6 =	simm.s32 $0x1  }
.LBB2_1:
0xc: {  	[tilespmem:s2], [sflag:$0x1] =	stream.linear.gather [hbm4b:s3+s2], $0x14000, $0x38;
	[tilespmem:$0x16800] =	vst v63  }
0xd: {  	_ =	swait.ge [sflag:s6], $0x14000  }
0xe: {  	[sflag:s6] =	ssyncset.done $0x0  }
0xf: {  	s11 =	simm.s32 $0x0;
	[sflag:s6] =	ssyncadd.s32 $0xFFFEC000  }
.LBB2_2:
0x10: {  	p0 =	sne.s32 s11, $0x9FC0  }
.Ltmp0:
0x11: {  	_ = 	snop;
	(pc) =	sbr.rel @p0 .LBB2_2-.Ltmp0, $3  }
0x12: {  	_ =	sdelay $0x1  }
0x13: {  	s12 =	sshra.s32 s11, $0x2  }
0x14: {  	s11 =	sadd.s32 $0x40, s11;
	[tilespmem:s12+$0x14000] =	vst v0  }
0x15: {  	s12 =	simm.s32 $0x0;
	s11 =	simm.s32 $0x200  }
.LBB2_4:
0x16: {  	p0 =	sne.s32 s11, $0x4FE00;
	v2 =	vld [tilespmem:s12+$0x0];
	_ =	sdelay $0x3  }
.Ltmp1:
0x17: {  	(pc) =	sbr.rel @p0 .LBB2_4-.Ltmp1, $2  }
0x18: {  	_ =	sdelay $0x2  }
0x19: {  	s12 =	sshra.s32 s11, $0x2;
	s11 =	sadd.s32 $0x200, s11;
	[tilespmem:v2+s7+$0x0] =	vst.idx.add.f32.msk $0xffff, v1  }
0x1a: {  	v2 =	vld [tilespmem:s12+$0x0];
	_ =	sdelay $0x5  }
0x1b: {  	s10 =	sadd.s32 $0x1, s10  }
0x1c: {  	p0 =	sne.s32 s10, s5  }
.Ltmp2:
0x1d: {  	[tilespmem:v2+s7+$0x0] =	vst.idx.add.f32.msk $0xffff, v1;
	(pc) =	sbr.rel @p0 .LBB2_1-.Ltmp2, $4  }
0x1e: {  	[hbm4b:s4+s8] =	stream.strided.scatter [tilespmem:s7], [sflag:$0x1], $0x2800, s9, s8, $0x38;
	[tilespmem:$0x16800] =	vst v63  }
0x1f: {  	_ =	swait.ge [sflag:s6], $0x2800  }
0x20: {  	[sflag:s6] =	ssyncset.done $0x0  }
0x21: {  	[sflag:s6] =	ssyncadd.s32 $0xFFFFD800  }
0x22: {  	_ =	sfence.sel $0x180000  }
0x23: {  	[bflag:$0x0] =	sbarrier.arrive $0xFFFF  }
0x24: {  	p0 =	sne.s32 s0, $0x0;
	_ =	strace $0x90000047  }
0x25: {  	s0 =	sadd.s32 @!p0 $0x100000, s1;
	[bflag:$0x2] =	sbarrier.arrive $0xFFFF  }
0x26: {  	[sflag:s0] =	ssyncadd.tile.s32 @!p0 $0x1;
	_ =	shalt  }
.Lfunc_end2:
_tile_overlayer_lowered:
.L_overlay_start_2:
0x27: {  	(tag) =	ssettag $0x2  }
0x28: {  	s0 =	rddreg [dreg:$0x0];
	s2 =	stileid.u32  }
0x29: {  	s1 =	rddreg [dreg:$0x1];
	p0 =	sne.s32 s2, $0x0  }
0x2a: {  	s3 =	rddreg [dreg:$0x2];
	[bflag:$0x3] =	sbarrier.arrive $0xFFFF;
	s2 =	simm.s32 @!p0 $0x1C01  }
0x2b: {  	[timem:s3], [sflag:s2] =	dma.local @!p0 [hbm:s0], s1  }
0x2c: {  	s0 =	simm.s32 @!p0 $0x1  }
0x2d: {  	_ =	swait.ge @!p0 [sflag:s0], s1  }
0x2e: {  	s1 =	ssub.s32 @!p0 $0x0, s1;
	[sflag:s0] =	ssyncset.done @!p0 $0x0  }
0x2f: {  	[sflag:s0] =	ssyncadd.s32 @!p0 s1  }
0x30: {  	[bflag:$0x3] =	sbarrier.arrive $0xFFFF  }
0x31: {  	_ =	shalt  }

</sc_bundles>
